<compile_context>
chip_gen: v7x
topology: tpu7x:2x2x1
jax: 0.10.2.dev20260603
libtpu: 0.0.44.dev20260713+nightly
codegen_flags: <defaults>
</compile_context>

<pallas_src>
import functools

import jax
import jax.numpy as jnp
from jax import lax
from jax.experimental import pallas as pl
from jax.experimental.pallas import tpu as pltpu
from jax.experimental.pallas import tpu_sc as plsc

L = 16

B = 8
N = 4096
NP = 2048
DV = 64
NQ = 4


def _bf16_round(v):
  u = plsc.bitcast(v, jnp.uint32)
  r = u + jnp.uint32(0x7FFF) + ((u >> jnp.uint32(16)) & jnp.uint32(1))
  return plsc.bitcast(r & jnp.uint32(0xFFFF0000), jnp.float32)


def _make_body(b_sz, n, npoint, dv):
  steps = n // L
  nq_pts = n // NQ
  qsteps = nq_pts // L
  opq = npoint // NQ
  slot = 8

  def _fps_body(ct_hbm, vt_hbm, mt_hbm, oc_hbm, ov_hbm, om_hbm,
                xs, ys, zs, xb, yb, zb, sqs, dist, msk, idxb, idx2,
                oxs, oys, ozs, oms, xbuf, rbuf, vbuf, shr, sem):
    c = lax.axis_index("c")
    s = lax.axis_index("s")
    b = c * NQ + s // NQ
    q = s % NQ
    g0 = (s // NQ) * NQ

    pltpu.sync_copy(ct_hbm.at[pl.ds((b * 3 + 0) * n, n)], xs)
    pltpu.sync_copy(ct_hbm.at[pl.ds((b * 3 + 1) * n, n)], ys)
    pltpu.sync_copy(ct_hbm.at[pl.ds((b * 3 + 2) * n, n)], zs)
    pltpu.sync_copy(mt_hbm.at[pl.ds(b * n, n)], msk)

    big = jnp.full((L,), 1e10, jnp.float32)

    def init_step(t, carry):
      sl = pl.ds(t * L, L)
      x = xs[sl]
      y = ys[sl]
      z = zs[sl]
      sqs[sl] = (x * x + y * y) + z * z
      xb[sl] = _bf16_round(x)
      yb[sl] = _bf16_round(y)
      zb[sl] = _bf16_round(z)
      return carry

    lax.fori_loop(0, steps, init_step, 0)

    def init_dist(t, carry):
      dist[pl.ds(t * L, L)] = big
      return carry

    lax.fori_loop(0, qsteps, init_dist, 0)

    iota = lax.iota(jnp.int32, L)
    magm = jnp.uint32(0x7FFFFFFF)
    expm = jnp.uint32(0x7F800000)
    emin = jnp.uint32(28 << 23)
    einv = jnp.uint32(281 << 23)
    eneg2 = jnp.uint32(0x73000000)
    qbase = q * qsteps

    def fps_block(blk, far0):
      def fps_iter(j, carry):
        far, acc = carry
        cvec = jnp.full((L,), far, jnp.int32)
        acc = jnp.where(iota == j, cvec, acc)
        cx = plsc.load_gather(xs, [cvec])
        cy = plsc.load_gather(ys, [cvec])
        cz = plsc.load_gather(zs, [cvec])
        cxb = plsc.load_gather(xb, [cvec])
        cyb = plsc.load_gather(yb, [cvec])
        czb = plsc.load_gather(zb, [cvec])
        csq = (cx * cx + cz * cz) + cy * cy

        def sweep(t, carry2):
          rmax, ridx = carry2
          gsl = pl.ds((qbase + t) * L, L)
          p0 = xb[gsl] * cxb
          p1 = yb[gsl] * cyb
          p2 = zb[gsl] * czb
          u0 = plsc.bitcast(p0, jnp.uint32) & magm
          u1 = plsc.bitcast(p1, jnp.uint32) & magm
          u2 = plsc.bitcast(p2, jnp.uint32) & magm
          e = jnp.maximum(jnp.maximum(u0, u1), u2) & expm
          e = jnp.maximum(e, emin)
          inv = plsc.bitcast(einv - e, jnp.float32)
          q0 = (p0 * inv).astype(jnp.int32)
          q1 = (p1 * inv).astype(jnp.int32)
          q2 = (p2 * inv).astype(jnp.int32)
          md = ((q0 + (q1 + q2)).astype(jnp.float32)
                * plsc.bitcast(e + eneg2, jnp.float32))
          d = (md + sqs[gsl]) + csq
          sl = pl.ds(t * L, L)
          nd = jnp.minimum(dist[sl], d)
          dist[sl] = nd
          m = nd > rmax
          rmax = jnp.where(m, nd, rmax)
          ridx = jnp.where(m, jnp.full((L,), qbase + t, jnp.int32), ridx)
          return (rmax, ridx)

        rmax, ridx = plsc.parallel_loop(
            0, qsteps, 1, unroll=8,
            carry=(jnp.full((L,), -1.0, jnp.float32),
                   jnp.zeros((L,), jnp.int32)))(sweep)
        gidx = ridx * L + iota

        mx = jnp.max(rmax)
        mi = jnp.min(jnp.where(rmax == mx, gidx, jnp.int32(n)))

        parity = j & 1
        mxi = lax.bitcast_convert_type(mx, jnp.int32)
        pair = jnp.where(iota == 0, jnp.full((L,), mxi, jnp.int32),
                         jnp.full((L,), mi, jnp.int32))
        xbuf[pl.ds(0, L)] = pair
        off = parity * (16 * slot)
        pltpu.sync_copy(xbuf.at[pl.ds(0, slot)],
                        shr.at[pl.ds(off + s * slot, slot)])
        plsc.subcore_barrier()
        pltpu.sync_copy(shr.at[pl.ds(off + g0 * slot, NQ * slot)], rbuf)

        v0i = rbuf[pl.ds(0, L)]
        v1i = rbuf[pl.ds(L, L)]
        v0f = plsc.bitcast(v0i, jnp.float32)
        v1f = plsc.bitcast(v1i, jnp.float32)
        vals = (v0f[0], v0f[slot], v1f[0], v1f[slot])
        idxs = (v0i[1], v0i[slot + 1], v1i[1], v1i[slot + 1])
        bv, bi = vals[0], idxs[0]
        for qq in range(1, NQ):
          ov, oi = vals[qq], idxs[qq]
          take = (ov > bv) | ((ov == bv) & (oi < bi))
          bv = jnp.where(take, ov, bv)
          bi = jnp.where(take, oi, bi)
        return (bi, acc)

      far, acc = lax.fori_loop(
          0, L, fps_iter, (far0, jnp.zeros((L,), jnp.int32)))
      idxb[pl.ds(blk * L, L)] = acc
      return far

    lax.fori_loop(0, npoint // L, fps_block, jnp.int32(0))

    obase = q * opq

    def gather_step(j, carry):
      sl = pl.ds(j * L, L)
      iv = idxb[pl.ds(obase + j * L, L)]
      oxs[sl] = plsc.load_gather(xs, [iv])
      oys[sl] = plsc.load_gather(ys, [iv])
      ozs[sl] = plsc.load_gather(zs, [iv])
      oms[sl] = plsc.load_gather(msk, [iv])
      idx2[sl] = iv + b * n
      return carry

    lax.fori_loop(0, opq // L, gather_step, 0)

    pltpu.sync_copy(oxs, oc_hbm.at[pl.ds((b * 3 + 0) * npoint + obase, opq)])
    pltpu.sync_copy(oys, oc_hbm.at[pl.ds((b * 3 + 1) * npoint + obase, opq)])
    pltpu.sync_copy(ozs, oc_hbm.at[pl.ds((b * 3 + 2) * npoint + obase, opq)])
    pltpu.sync_copy(oms, om_hbm.at[pl.ds(b * npoint + obase, opq)])

    pltpu.async_copy(vt_hbm.at[idx2], vbuf, sem).wait()
    pltpu.sync_copy(vbuf, ov_hbm.at[b, pl.ds(obase, opq)])

  return _fps_body


def _make_call(b_sz, n, npoint, dv, interpret=False):
  mesh = plsc.VectorSubcoreMesh(
      core_axis_name="c", subcore_axis_name="s", num_cores=2, num_subcores=16)
  nq_pts = n // NQ
  opq = npoint // NQ
  slot = 8
  return pl.kernel(
      _make_body(b_sz, n, npoint, dv),
      out_type=[
          jax.ShapeDtypeStruct((b_sz * 3 * npoint,), jnp.float32),
          jax.ShapeDtypeStruct((b_sz, npoint, dv), jnp.float32),
          jax.ShapeDtypeStruct((b_sz * npoint,), jnp.float32),
      ],
      mesh=mesh,
      scratch_types=[
          pltpu.VMEM((n,), jnp.float32),
          pltpu.VMEM((n,), jnp.float32),
          pltpu.VMEM((n,), jnp.float32),
          pltpu.VMEM((n,), jnp.float32),
          pltpu.VMEM((n,), jnp.float32),
          pltpu.VMEM((n,), jnp.float32),
          pltpu.VMEM((n,), jnp.float32),
          pltpu.VMEM((nq_pts,), jnp.float32),
          pltpu.VMEM((n,), jnp.float32),
          pltpu.VMEM((npoint,), jnp.int32),
          pltpu.VMEM((opq,), jnp.int32),
          pltpu.VMEM((opq,), jnp.float32),
          pltpu.VMEM((opq,), jnp.float32),
          pltpu.VMEM((opq,), jnp.float32),
          pltpu.VMEM((opq,), jnp.float32),
          pltpu.VMEM((L,), jnp.int32),
          pltpu.VMEM((NQ * slot,), jnp.int32),
          pltpu.VMEM((opq, dv), jnp.float32),
          pltpu.VMEM_SHARED((2 * 16 * slot,), jnp.int32),
          pltpu.SemaphoreType.DMA,
      ],
      compiler_params=pltpu.CompilerParams(
          needs_layout_passes=False, use_tc_tiling_on_sc=False),
      interpret=interpret,
  )


@jax.jit
def _fps_call(ct, vt, mt):
  return _make_call(B, N, NP, DV)(ct, vt, mt)


def kernel(coords, values, mask):
  ct = coords.transpose(0, 2, 1).reshape(B * 3 * N)
  vt = values.reshape(B * N, DV)
  mt = mask.reshape(B * N)
  oc, ov, om = _fps_call(ct, vt, mt)
  return (oc.reshape(B, 3, NP).transpose(0, 2, 1), ov,
          om.reshape(B, NP, 1))

# --- scband reference (transcript-rebuilt; emitter-appended) ---
"""Pipeline reference for scband-euclid-farther-subsample-22737556865538 (READ-ONLY COPY).

The authoritative reference and input builder live on the scoring server;
editing this copy changes nothing except your own understanding.
"""

import jax, jax.numpy as jnp
import numpy as np

SAMPLING_FRACTION = 0.5
KNN_CHANNELS = 3


def square_distance(src, dst):
    # src: [B, N, C], dst: [B, M, C] -> [B, N, M]
    dist = -2.0 * jnp.matmul(src, jnp.swapaxes(dst, 1, 2))
    dist = dist + jnp.sum(src ** 2, axis=-1)[:, :, None]
    dist = dist + jnp.sum(dst ** 2, axis=-1)[:, None, :]
    return dist


def farthest_point_sample(xyz, npoint):
    B, N, C = xyz.shape

    def body(i, state):
        centroids, distance, farthest = state
        centroids = centroids.at[:, i].set(farthest)
        idx = jnp.broadcast_to(farthest[:, None, None], (B, 1, C))
        centroid = jnp.take_along_axis(xyz, idx, axis=1)  # [B, 1, C]
        dist = square_distance(xyz, centroid)[:, :, 0]  # [B, N]
        distance = jnp.minimum(distance, dist)
        farthest = jnp.argmax(distance, axis=1).astype(jnp.int32)
        return (centroids, distance, farthest)

    init = (
        jnp.zeros((B, npoint), dtype=jnp.int32),
        jnp.full((B, N), 1e10, dtype=xyz.dtype),
        jnp.zeros((B,), dtype=jnp.int32),
    )
    centroids, _, _ = jax.lax.fori_loop(0, npoint, body, init)
    return centroids


def index_points(points, idx):
    # points: [B, N, D], idx: [B, S] -> [B, S, D]
    B, S = idx.shape
    D = points.shape[2]
    idx_exp = jnp.broadcast_to(idx[:, :, None], (B, S, D))
    return jnp.take_along_axis(points, idx_exp, axis=1)


def setup_inputs(seed: int = 0):
    key = jax.random.key(seed)
    k1, k2 = jax.random.split(key)
    coords = jax.random.normal(k1, (8, 4096, 3), dtype=jnp.float32)
    values = jax.random.normal(k2, (8, 4096, 64), dtype=jnp.float32)
    mask = jnp.ones((8, 4096, 1), dtype=jnp.float32)
    return {"coords": coords, "values": values, "mask": mask}


def reference(coords, values, mask):
    if SAMPLING_FRACTION == 1:
        return (coords, values, mask)
    npoint = int(round(coords.shape[1] * SAMPLING_FRACTION))
    farthest_indices = farthest_point_sample(coords[:, :, :KNN_CHANNELS], npoint)
    new_coords = index_points(coords, farthest_indices)
    new_values = index_points(values, farthest_indices)
    new_mask = index_points(mask, farthest_indices)
    return (new_coords, new_values, new_mask)

if __name__ == "__main__":
    import jax
    _d = setup_inputs()
    print(jax.jit(kernel)(*tuple(_d.values())))

</pallas_src>

<mosaic_0001>
#map = affine_map<(d0, d1) -> (0)>
#map1 = affine_map<(d0, d1) -> (0, 0)>
#map2 = affine_map<(d0, d1) -> (0, 0, 0)>
module attributes {stable_mosaic.version = 14 : i64} {
  func.func @_fps_body(%arg0: i32, %arg1: i32, %arg2: memref<98304xf32, #tpu.memory_space<hbm>>, %arg3: memref<32768x64xf32, #tpu.memory_space<hbm>>, %arg4: memref<32768xf32, #tpu.memory_space<hbm>>, %arg5: memref<49152xf32, #tpu.memory_space<hbm>>, %arg6: memref<8x2048x64xf32, #tpu.memory_space<hbm>>, %arg7: memref<16384xf32, #tpu.memory_space<hbm>>, %arg8: memref<4096xf32, #tpu.memory_space<vmem>>, %arg9: memref<4096xf32, #tpu.memory_space<vmem>>, %arg10: memref<4096xf32, #tpu.memory_space<vmem>>, %arg11: memref<4096xf32, #tpu.memory_space<vmem>>, %arg12: memref<4096xf32, #tpu.memory_space<vmem>>, %arg13: memref<4096xf32, #tpu.memory_space<vmem>>, %arg14: memref<4096xf32, #tpu.memory_space<vmem>>, %arg15: memref<1024xf32, #tpu.memory_space<vmem>>, %arg16: memref<4096xf32, #tpu.memory_space<vmem>>, %arg17: memref<2048xi32, #tpu.memory_space<vmem>>, %arg18: memref<512xi32, #tpu.memory_space<vmem>>, %arg19: memref<512xf32, #tpu.memory_space<vmem>>, %arg20: memref<512xf32, #tpu.memory_space<vmem>>, %arg21: memref<512xf32, #tpu.memory_space<vmem>>, %arg22: memref<512xf32, #tpu.memory_space<vmem>>, %arg23: memref<16xi32, #tpu.memory_space<vmem>>, %arg24: memref<32xi32, #tpu.memory_space<vmem>>, %arg25: memref<512x64xf32, #tpu.memory_space<vmem>>, %arg26: memref<256xi32, #tpu.memory_space<vmem_shared>>, %arg27: memref<!tpu.dma_semaphore, #tpu.memory_space<semaphore_mem>>) attributes {dimension_semantics = [#tpu.dimension_semantics<core_parallel>, #tpu.dimension_semantics<subcore_parallel>], iteration_bounds = array<i64: 2, 16>, scalar_prefetch = 0 : i64, scratch_operands = 20 : i64, tpu.core_type = #tpu.core_type<sc_vector_subcore>, window_params = [{transform_indices = #map}, {transform_indices = #map1}, {transform_indices = #map}, {transform_indices = #map}, {transform_indices = #map2}, {transform_indices = #map}]} {
    %mul3A = arith.constant 4 : i32
    %mul3A_0 = arith.muli %arg0, %mul3A : i32
    %jit3A = arith.constant 4 : i32
    %div3A = arith.divsi %arg1, %jit3A : i32
    %sign3A = arith.constant 0 : i32
    %sign3A_1 = arith.cmpi sgt, %arg1, %sign3A : i32
    %sign3A_2 = arith.extui %sign3A_1 : i1 to i32
    %sign3A_3 = arith.constant 0 : i32
    %sign3A_4 = arith.cmpi slt, %arg1, %sign3A_3 : i32
    %sign3A_5 = arith.extui %sign3A_4 : i1 to i32
    %sign3A_6 = arith.subi %sign3A_2, %sign3A_5 : i32
    %sign3A_7 = arith.constant 0 : i32
    %sign3A_8 = arith.cmpi sgt, %jit3A, %sign3A_7 : i32
    %sign3A_9 = arith.extui %sign3A_8 : i1 to i32
    %sign3A_10 = arith.constant 0 : i32
    %sign3A_11 = arith.cmpi slt, %jit3A, %sign3A_10 : i32
    %sign3A_12 = arith.extui %sign3A_11 : i1 to i32
    %sign3A_13 = arith.subi %sign3A_9, %sign3A_12 : i32
    %ne3A = arith.cmpi ne, %sign3A_6, %sign3A_13 : i32
    %rem3A = arith.remsi %arg1, %jit3A : i32
    %ne3A_14 = arith.constant 0 : i32
    %ne3A_15 = arith.cmpi ne, %rem3A, %ne3A_14 : i32
    %and3A = arith.andi %ne3A, %ne3A_15 : i1
    %sub3A = arith.constant 1 : i32
    %sub3A_16 = arith.subi %div3A, %sub3A : i32
    %select_n3A = arith.select %and3A, %sub3A_16, %div3A : i32
    %add3A = arith.addi %mul3A_0, %select_n3A : i32
    %jit3A_17 = arith.constant 4 : i32
    %eq3A = arith.constant 0 : i32
    %eq3A_18 = arith.cmpi eq, %jit3A_17, %eq3A : i32
    %jit3A_19 = arith.constant 1 : i32
    %select_n3A_20 = arith.select %eq3A_18, %jit3A_19, %jit3A_17 : i32
    %rem3A_21 = arith.remsi %arg1, %select_n3A_20 : i32
    %ne3A_22 = arith.constant 0 : i32
    %ne3A_23 = arith.cmpi ne, %rem3A_21, %ne3A_22 : i32
    %lt3A = arith.constant 0 : i32
    %lt3A_24 = arith.cmpi slt, %rem3A_21, %lt3A : i32
    %lt3A_25 = arith.constant 0 : i32
    %lt3A_26 = arith.cmpi slt, %select_n3A_20, %lt3A_25 : i32
    %ne3A_27 = arith.xori %lt3A_24, %lt3A_26 : i1
    %and3A_28 = arith.andi %ne3A_27, %ne3A_23 : i1
    %add3A_29 = arith.addi %rem3A_21, %select_n3A_20 : i32
    %select_n3A_30 = arith.select %and3A_28, %add3A_29, %rem3A_21 : i32
    %jit3A_31 = arith.constant 4 : i32
    %div3A_32 = arith.divsi %arg1, %jit3A_31 : i32
    %sign3A_33 = arith.constant 0 : i32
    %sign3A_34 = arith.cmpi sgt, %arg1, %sign3A_33 : i32
    %sign3A_35 = arith.extui %sign3A_34 : i1 to i32
    %sign3A_36 = arith.constant 0 : i32
    %sign3A_37 = arith.cmpi slt, %arg1, %sign3A_36 : i32
    %sign3A_38 = arith.extui %sign3A_37 : i1 to i32
    %sign3A_39 = arith.subi %sign3A_35, %sign3A_38 : i32
    %sign3A_40 = arith.constant 0 : i32
    %sign3A_41 = arith.cmpi sgt, %jit3A_31, %sign3A_40 : i32
    %sign3A_42 = arith.extui %sign3A_41 : i1 to i32
    %sign3A_43 = arith.constant 0 : i32
    %sign3A_44 = arith.cmpi slt, %jit3A_31, %sign3A_43 : i32
    %sign3A_45 = arith.extui %sign3A_44 : i1 to i32
    %sign3A_46 = arith.subi %sign3A_42, %sign3A_45 : i32
    %ne3A_47 = arith.cmpi ne, %sign3A_39, %sign3A_46 : i32
    %rem3A_48 = arith.remsi %arg1, %jit3A_31 : i32
    %ne3A_49 = arith.constant 0 : i32
    %ne3A_50 = arith.cmpi ne, %rem3A_48, %ne3A_49 : i32
    %and3A_51 = arith.andi %ne3A_47, %ne3A_50 : i1
    %sub3A_52 = arith.constant 1 : i32
    %sub3A_53 = arith.subi %div3A_32, %sub3A_52 : i32
    %select_n3A_54 = arith.select %and3A_51, %sub3A_53, %div3A_32 : i32
    %mul3A_55 = arith.constant 4 : i32
    %mul3A_56 = arith.muli %select_n3A_54, %mul3A_55 : i32
    %mul3A_57 = arith.constant 3 : i32
    %mul3A_58 = arith.muli %add3A, %mul3A_57 : i32
    %add3A_59 = arith.constant 0 : i32
    %add3A_60 = arith.addi %mul3A_58, %add3A_59 : i32
    %mul3A_61 = arith.constant 4096 : i32
    %mul3A_62 = arith.muli %add3A_60, %mul3A_61 : i32
    "tpu.region"() ({
      %run_scoped3A = tpu.sem_alloc : memref<!tpu.dma_semaphore, #tpu.memory_space<semaphore_mem>>
      %dma_start3A_139 = tpu.memref_slice %arg2[%mul3A_62] : memref<98304xf32, #tpu.memory_space<hbm>> -> memref<4096xf32, #tpu.memory_space<hbm>>
      %dma_start3A_140 = tpu.memref_slice %arg2[%mul3A_62] : memref<98304xf32, #tpu.memory_space<hbm>> -> memref<4096xf32, #tpu.memory_space<hbm>>
      tpu.enqueue_dma source(%dma_start3A_140 : memref<4096xf32, #tpu.memory_space<hbm>>) target(%arg8 : memref<4096xf32, #tpu.memory_space<vmem>>) target_semaphore(%run_scoped3A : memref<!tpu.dma_semaphore, #tpu.memory_space<semaphore_mem>>)
      %dma_wait3A_141 = tpu.memref_slice %arg2[%mul3A_62] : memref<98304xf32, #tpu.memory_space<hbm>> -> memref<4096xf32, #tpu.memory_space<hbm>>
      %dma_wait3A_142 = tpu.memref_slice %arg2[%mul3A_62] : memref<98304xf32, #tpu.memory_space<hbm>> -> memref<4096xf32, #tpu.memory_space<hbm>>
      tpu.wait_dma2 semaphore(%run_scoped3A : memref<!tpu.dma_semaphore, #tpu.memory_space<semaphore_mem>>) src(%dma_wait3A_142 : memref<4096xf32, #tpu.memory_space<hbm>>) dst(%arg8 : memref<4096xf32, #tpu.memory_space<vmem>>)
      tpu.yield
    }) : () -> ()
    %mul3A_63 = arith.constant 3 : i32
    %mul3A_64 = arith.muli %add3A, %mul3A_63 : i32
    %add3A_65 = arith.constant 1 : i32
    %add3A_66 = arith.addi %mul3A_64, %add3A_65 : i32
    %mul3A_67 = arith.constant 4096 : i32
    %mul3A_68 = arith.muli %add3A_66, %mul3A_67 : i32
    "tpu.region"() ({
      %run_scoped3A = tpu.sem_alloc : memref<!tpu.dma_semaphore, #tpu.memory_space<semaphore_mem>>
      %dma_start3A_139 = tpu.memref_slice %arg2[%mul3A_68] : memref<98304xf32, #tpu.memory_space<hbm>> -> memref<4096xf32, #tpu.memory_space<hbm>>
      %dma_start3A_140 = tpu.memref_slice %arg2[%mul3A_68] : memref<98304xf32, #tpu.memory_space<hbm>> -> memref<4096xf32, #tpu.memory_space<hbm>>
      tpu.enqueue_dma source(%dma_start3A_140 : memref<4096xf32, #tpu.memory_space<hbm>>) target(%arg9 : memref<4096xf32, #tpu.memory_space<vmem>>) target_semaphore(%run_scoped3A : memref<!tpu.dma_semaphore, #tpu.memory_space<semaphore_mem>>)
      %dma_wait3A_141 = tpu.memref_slice %arg2[%mul3A_68] : memref<98304xf32, #tpu.memory_space<hbm>> -> memref<4096xf32, #tpu.memory_space<hbm>>
      %dma_wait3A_142 = tpu.memref_slice %arg2[%mul3A_68] : memref<98304xf32, #tpu.memory_space<hbm>> -> memref<4096xf32, #tpu.memory_space<hbm>>
      tpu.wait_dma2 semaphore(%run_scoped3A : memref<!tpu.dma_semaphore, #tpu.memory_space<semaphore_mem>>) src(%dma_wait3A_142 : memref<4096xf32, #tpu.memory_space<hbm>>) dst(%arg9 : memref<4096xf32, #tpu.memory_space<vmem>>)
      tpu.yield
    }) : () -> ()
    %mul3A_69 = arith.constant 3 : i32
    %mul3A_70 = arith.muli %add3A, %mul3A_69 : i32
    %add3A_71 = arith.constant 2 : i32
    %add3A_72 = arith.addi %mul3A_70, %add3A_71 : i32
    %mul3A_73 = arith.constant 4096 : i32
    %mul3A_74 = arith.muli %add3A_72, %mul3A_73 : i32
    "tpu.region"() ({
      %run_scoped3A = tpu.sem_alloc : memref<!tpu.dma_semaphore, #tpu.memory_space<semaphore_mem>>
      %dma_start3A_139 = tpu.memref_slice %arg2[%mul3A_74] : memref<98304xf32, #tpu.memory_space<hbm>> -> memref<4096xf32, #tpu.memory_space<hbm>>
      %dma_start3A_140 = tpu.memref_slice %arg2[%mul3A_74] : memref<98304xf32, #tpu.memory_space<hbm>> -> memref<4096xf32, #tpu.memory_space<hbm>>
      tpu.enqueue_dma source(%dma_start3A_140 : memref<4096xf32, #tpu.memory_space<hbm>>) target(%arg10 : memref<4096xf32, #tpu.memory_space<vmem>>) target_semaphore(%run_scoped3A : memref<!tpu.dma_semaphore, #tpu.memory_space<semaphore_mem>>)
      %dma_wait3A_141 = tpu.memref_slice %arg2[%mul3A_74] : memref<98304xf32, #tpu.memory_space<hbm>> -> memref<4096xf32, #tpu.memory_space<hbm>>
      %dma_wait3A_142 = tpu.memref_slice %arg2[%mul3A_74] : memref<98304xf32, #tpu.memory_space<hbm>> -> memref<4096xf32, #tpu.memory_space<hbm>>
      tpu.wait_dma2 semaphore(%run_scoped3A : memref<!tpu.dma_semaphore, #tpu.memory_space<semaphore_mem>>) src(%dma_wait3A_142 : memref<4096xf32, #tpu.memory_space<hbm>>) dst(%arg10 : memref<4096xf32, #tpu.memory_space<vmem>>)
      tpu.yield
    }) : () -> ()
    %mul3A_75 = arith.constant 4096 : i32
    %mul3A_76 = arith.muli %add3A, %mul3A_75 : i32
    "tpu.region"() ({
      %run_scoped3A = tpu.sem_alloc : memref<!tpu.dma_semaphore, #tpu.memory_space<semaphore_mem>>
      %dma_start3A_139 = tpu.memref_slice %arg4[%mul3A_76] : memref<32768xf32, #tpu.memory_space<hbm>> -> memref<4096xf32, #tpu.memory_space<hbm>>
      %dma_start3A_140 = tpu.memref_slice %arg4[%mul3A_76] : memref<32768xf32, #tpu.memory_space<hbm>> -> memref<4096xf32, #tpu.memory_space<hbm>>
      tpu.enqueue_dma source(%dma_start3A_140 : memref<4096xf32, #tpu.memory_space<hbm>>) target(%arg16 : memref<4096xf32, #tpu.memory_space<vmem>>) target_semaphore(%run_scoped3A : memref<!tpu.dma_semaphore, #tpu.memory_space<semaphore_mem>>)
      %dma_wait3A_141 = tpu.memref_slice %arg4[%mul3A_76] : memref<32768xf32, #tpu.memory_space<hbm>> -> memref<4096xf32, #tpu.memory_space<hbm>>
      %dma_wait3A_142 = tpu.memref_slice %arg4[%mul3A_76] : memref<32768xf32, #tpu.memory_space<hbm>> -> memref<4096xf32, #tpu.memory_space<hbm>>
      tpu.wait_dma2 semaphore(%run_scoped3A : memref<!tpu.dma_semaphore, #tpu.memory_space<semaphore_mem>>) src(%dma_wait3A_142 : memref<4096xf32, #tpu.memory_space<hbm>>) dst(%arg16 : memref<4096xf32, #tpu.memory_space<vmem>>)
      tpu.yield
    }) : () -> ()
    %broadcast_in_dim3A = arith.constant 1.000000e+10 : f32
    %broadcast_in_dim3A_77 = vector.broadcast %broadcast_in_dim3A : f32 to vector<16xf32>
    %scan3A = arith.constant 0 : i32
    %scan3A_78 = arith.constant 0 : i32
    %scan3A_79 = arith.constant 256 : i32
    %scan3A_80 = arith.addi %scan3A_78, %scan3A_79 : i32
    %scan3A_81 = arith.constant 1 : i32
    scf.for %scan3A_139 = %scan3A_78 to %scan3A_80 step %scan3A_81  : i32 {
      %mul3A_140 = arith.constant 16 : i32
      %mul3A_141 = arith.muli %scan3A_139, %mul3A_140 : i32
      %get3A = arith.index_cast %mul3A_141 : i32 to index
      %get3A_142 = tpu.vector_load %arg8[%get3A] {strides = array<i32>} : memref<4096xf32, #tpu.memory_space<vmem>>, vector<16xf32>,
      %get3A_143 = arith.index_cast %mul3A_141 : i32 to index
      %get3A_144 = tpu.vector_load %arg9[%get3A_143] {strides = array<i32>} : memref<4096xf32, #tpu.memory_space<vmem>>, vector<16xf32>,
      %get3A_145 = arith.index_cast %mul3A_141 : i32 to index
      %get3A_146 = tpu.vector_load %arg10[%get3A_145] {strides = array<i32>} : memref<4096xf32, #tpu.memory_space<vmem>>, vector<16xf32>,
      %mul3A_147 = arith.mulf %get3A_142, %get3A_142 : vector<16xf32>
      %mul3A_148 = arith.mulf %get3A_144, %get3A_144 : vector<16xf32>
      %add3A_149 = arith.addf %mul3A_147, %mul3A_148 : vector<16xf32>
      %mul3A_150 = arith.mulf %get3A_146, %get3A_146 : vector<16xf32>
      %add3A_151 = arith.addf %add3A_149, %mul3A_150 : vector<16xf32>
      %swap3A = arith.index_cast %mul3A_141 : i32 to index
      %swap3A_152 = tpu.vector_load %arg14[%swap3A] {strides = array<i32>} : memref<4096xf32, #tpu.memory_space<vmem>>, vector<16xf32>,
      tpu.vector_store %arg14[%swap3A], %add3A_151 {strides = array<i32>} : memref<4096xf32, #tpu.memory_space<vmem>>, vector<16xf32>,
      %bitcast3A = vector.bitcast %get3A_142 : vector<16xf32> to vector<16xi32>
      %add3A_153 = arith.constant 32767 : i32
      %add3A_154 = vector.broadcast %add3A_153 : i32 to vector<16xi32>
      %add3A_155 = arith.addi %bitcast3A, %add3A_154 : vector<16xi32>
      %shift_right_logical3A = arith.constant 16 : i32
      %shift_right_logical3A_156 = vector.broadcast %shift_right_logical3A : i32 to vector<16xi32>
      %shift_right_logical3A_157 = arith.shrui %bitcast3A, %shift_right_logical3A_156 : vector<16xi32>
      %and3A_158 = arith.constant 1 : i32
      %and3A_159 = vector.broadcast %and3A_158 : i32 to vector<16xi32>
      %and3A_160 = arith.andi %shift_right_logical3A_157, %and3A_159 : vector<16xi32>
      %add3A_161 = arith.addi %add3A_155, %and3A_160 : vector<16xi32>
      %and3A_162 = arith.constant -65536 : i32
      %and3A_163 = vector.broadcast %and3A_162 : i32 to vector<16xi32>
      %and3A_164 = arith.andi %add3A_161, %and3A_163 : vector<16xi32>
      %bitcast3A_165 = vector.bitcast %and3A_164 : vector<16xi32> to vector<16xf32>
      %swap3A_166 = arith.index_cast %mul3A_141 : i32 to index
      %swap3A_167 = tpu.vector_load %arg11[%swap3A_166] {strides = array<i32>} : memref<4096xf32, #tpu.memory_space<vmem>>, vector<16xf32>,
      tpu.vector_store %arg11[%swap3A_166], %bitcast3A_165 {strides = array<i32>} : memref<4096xf32, #tpu.memory_space<vmem>>, vector<16xf32>,
      %bitcast3A_168 = vector.bitcast %get3A_144 : vector<16xf32> to vector<16xi32>
      %add3A_169 = arith.constant 32767 : i32
      %add3A_170 = vector.broadcast %add3A_169 : i32 to vector<16xi32>
      %add3A_171 = arith.addi %bitcast3A_168, %add3A_170 : vector<16xi32>
      %shift_right_logical3A_172 = arith.constant 16 : i32
      %shift_right_logical3A_173 = vector.broadcast %shift_right_logical3A_172 : i32 to vector<16xi32>
      %shift_right_logical3A_174 = arith.shrui %bitcast3A_168, %shift_right_logical3A_173 : vector<16xi32>
      %and3A_175 = arith.constant 1 : i32
      %and3A_176 = vector.broadcast %and3A_175 : i32 to vector<16xi32>
      %and3A_177 = arith.andi %shift_right_logical3A_174, %and3A_176 : vector<16xi32>
      %add3A_178 = arith.addi %add3A_171, %and3A_177 : vector<16xi32>
      %and3A_179 = arith.constant -65536 : i32
      %and3A_180 = vector.broadcast %and3A_179 : i32 to vector<16xi32>
      %and3A_181 = arith.andi %add3A_178, %and3A_180 : vector<16xi32>
      %bitcast3A_182 = vector.bitcast %and3A_181 : vector<16xi32> to vector<16xf32>
      %swap3A_183 = arith.index_cast %mul3A_141 : i32 to index
      %swap3A_184 = tpu.vector_load %arg12[%swap3A_183] {strides = array<i32>} : memref<4096xf32, #tpu.memory_space<vmem>>, vector<16xf32>,
      tpu.vector_store %arg12[%swap3A_183], %bitcast3A_182 {strides = array<i32>} : memref<4096xf32, #tpu.memory_space<vmem>>, vector<16xf32>,
      %bitcast3A_185 = vector.bitcast %get3A_146 : vector<16xf32> to vector<16xi32>
      %add3A_186 = arith.constant 32767 : i32
      %add3A_187 = vector.broadcast %add3A_186 : i32 to vector<16xi32>
      %add3A_188 = arith.addi %bitcast3A_185, %add3A_187 : vector<16xi32>
      %shift_right_logical3A_189 = arith.constant 16 : i32
      %shift_right_logical3A_190 = vector.broadcast %shift_right_logical3A_189 : i32 to vector<16xi32>
      %shift_right_logical3A_191 = arith.shrui %bitcast3A_185, %shift_right_logical3A_190 : vector<16xi32>
      %and3A_192 = arith.constant 1 : i32
      %and3A_193 = vector.broadcast %and3A_192 : i32 to vector<16xi32>
      %and3A_194 = arith.andi %shift_right_logical3A_191, %and3A_193 : vector<16xi32>
      %add3A_195 = arith.addi %add3A_188, %and3A_194 : vector<16xi32>
      %and3A_196 = arith.constant -65536 : i32
      %and3A_197 = vector.broadcast %and3A_196 : i32 to vector<16xi32>
      %and3A_198 = arith.andi %add3A_195, %and3A_197 : vector<16xi32>
      %bitcast3A_199 = vector.bitcast %and3A_198 : vector<16xi32> to vector<16xf32>
      %swap3A_200 = arith.index_cast %mul3A_141 : i32 to index
      %swap3A_201 = tpu.vector_load %arg13[%swap3A_200] {strides = array<i32>} : memref<4096xf32, #tpu.memory_space<vmem>>, vector<16xf32>,
      tpu.vector_store %arg13[%swap3A_200], %bitcast3A_199 {strides = array<i32>} : memref<4096xf32, #tpu.memory_space<vmem>>, vector<16xf32>,
    }
    %scan3A_82 = arith.constant 256 : i32
    %scan3A_83 = arith.constant 0 : i32
    %scan3A_84 = arith.constant 0 : i32
    %scan3A_85 = arith.constant 64 : i32
    %scan3A_86 = arith.addi %scan3A_84, %scan3A_85 : i32
    %scan3A_87 = arith.constant 1 : i32
    scf.for %scan3A_139 = %scan3A_84 to %scan3A_86 step %scan3A_87  : i32 {
      %mul3A_140 = arith.constant 16 : i32
      %mul3A_141 = arith.muli %scan3A_139, %mul3A_140 : i32
      %swap3A = arith.index_cast %mul3A_141 : i32 to index
      %swap3A_142 = tpu.vector_load %arg15[%swap3A] {strides = array<i32>} : memref<1024xf32, #tpu.memory_space<vmem>>, vector<16xf32>,
      tpu.vector_store %arg15[%swap3A], %broadcast_in_dim3A_77 {strides = array<i32>} : memref<1024xf32, #tpu.memory_space<vmem>>, vector<16xf32>,
    }
    %scan3A_88 = arith.constant 64 : i32
    %iota3A = tpu.iota {dimensions = array<i32: 0>} : vector<16xi32>
    %mul3A_89 = arith.constant 64 : i32
    %mul3A_90 = arith.muli %select_n3A_30, %mul3A_89 : i32
    %scan3A_91 = arith.constant 2147483647 : i32
    %scan3A_92 = arith.constant 2139095040 : i32
    %scan3A_93 = arith.constant 234881024 : i32
    %scan3A_94 = arith.constant -1937768448 : i32
    %scan3A_95 = arith.constant 1929379840 : i32
    %scan3A_96 = arith.constant 0 : i32
    %scan3A_97 = arith.constant 0 : i32
    %scan3A_98 = arith.constant 128 : i32
    %scan3A_99 = arith.addi %scan3A_97, %scan3A_98 : i32
    %scan3A_100 = arith.constant 1 : i32
    %scan3A_101 = scf.for %scan3A_139 = %scan3A_97 to %scan3A_99 step %scan3A_100 iter_args(%scan3A_140 = %scan3A_96) -> (i32)  : i32 {
      %broadcast_in_dim3A_141 = arith.constant 0 : i32
      %broadcast_in_dim3A_142 = vector.broadcast %broadcast_in_dim3A_141 : i32 to vector<16xi32>
      %scan3A_143 = arith.constant 0 : i32
      %scan3A_144 = arith.constant 16 : i32
      %scan3A_145 = arith.addi %scan3A_143, %scan3A_144 : i32
      %scan3A_146 = arith.constant 1 : i32
      %scan3A_147:2 = scf.for %scan3A_152 = %scan3A_143 to %scan3A_145 step %scan3A_146 iter_args(%scan3A_153 = %scan3A_140, %scan3A_154 = %broadcast_in_dim3A_142) -> (i32, vector<16xi32>)  : i32 {
        %broadcast_in_dim3A_155 = vector.broadcast %scan3A_153 : i32 to vector<16xi32>
        %eq3A_156 = vector.broadcast %scan3A_152 : i32 to vector<16xi32>
        %eq3A_157 = arith.cmpi eq, %iota3A, %eq3A_156 : vector<16xi32>
        %select_n3A_158 = arith.select %eq3A_157, %broadcast_in_dim3A_155, %scan3A_154 : vector<16xi1>, vector<16xi32>
        %gather3A = tpu.vector_load_idx %arg8[%broadcast_in_dim3A_155] : memref<4096xf32, #tpu.memory_space<vmem>>[vector<16xi32>], vector<16xf32>,
        %gather3A_159 = tpu.vector_load_idx %arg9[%broadcast_in_dim3A_155] : memref<4096xf32, #tpu.memory_space<vmem>>[vector<16xi32>], vector<16xf32>,
        %gather3A_160 = tpu.vector_load_idx %arg10[%broadcast_in_dim3A_155] : memref<4096xf32, #tpu.memory_space<vmem>>[vector<16xi32>], vector<16xf32>,
        %gather3A_161 = tpu.vector_load_idx %arg11[%broadcast_in_dim3A_155] : memref<4096xf32, #tpu.memory_space<vmem>>[vector<16xi32>], vector<16xf32>,
        %gather3A_162 = tpu.vector_load_idx %arg12[%broadcast_in_dim3A_155] : memref<4096xf32, #tpu.memory_space<vmem>>[vector<16xi32>], vector<16xf32>,
        %gather3A_163 = tpu.vector_load_idx %arg13[%broadcast_in_dim3A_155] : memref<4096xf32, #tpu.memory_space<vmem>>[vector<16xi32>], vector<16xf32>,
        %mul3A_164 = arith.mulf %gather3A, %gather3A : vector<16xf32>
        %mul3A_165 = arith.mulf %gather3A_160, %gather3A_160 : vector<16xf32>
        %add3A_166 = arith.addf %mul3A_164, %mul3A_165 : vector<16xf32>
        %mul3A_167 = arith.mulf %gather3A_159, %gather3A_159 : vector<16xf32>
        %add3A_168 = arith.addf %add3A_166, %mul3A_167 : vector<16xf32>
        %broadcast_in_dim3A_169 = arith.constant -1.000000e+00 : f32
        %broadcast_in_dim3A_170 = vector.broadcast %broadcast_in_dim3A_169 : f32 to vector<16xf32>
        %broadcast_in_dim3A_171 = arith.constant 0 : i32
        %broadcast_in_dim3A_172 = vector.broadcast %broadcast_in_dim3A_171 : i32 to vector<16xi32>
        %parallel_loop3A = arith.constant 0 : i32
        %parallel_loop3A_173 = arith.constant 64 : i32
        %parallel_loop3A_174 = arith.constant 1 : i32
        %parallel_loop3A_175:2 = scf.for %parallel_loop3A_250 = %parallel_loop3A to %parallel_loop3A_173 step %parallel_loop3A_174 iter_args(%parallel_loop3A_251 = %broadcast_in_dim3A_170, %parallel_loop3A_252 = %broadcast_in_dim3A_172) -> (vector<16xf32>, vector<16xi32>)  : i32 {
          %parallel_loop3A_253 = arith.addi %mul3A_90, %parallel_loop3A_250 : i32
          %parallel_loop3A_254 = arith.constant 16 : i32
          %parallel_loop3A_255 = arith.muli %parallel_loop3A_253, %parallel_loop3A_254 : i32
          %parallel_loop3A_256 = arith.index_cast %parallel_loop3A_255 : i32 to index
          %parallel_loop3A_257 = tpu.vector_load %arg11[%parallel_loop3A_256] {strides = array<i32>} : memref<4096xf32, #tpu.memory_space<vmem>>, vector<16xf32>,
          %parallel_loop3A_258 = arith.mulf %parallel_loop3A_257, %gather3A_161 : vector<16xf32>
          %parallel_loop3A_259 = arith.index_cast %parallel_loop3A_255 : i32 to index
          %parallel_loop3A_260 = tpu.vector_load %arg12[%parallel_loop3A_259] {strides = array<i32>} : memref<4096xf32, #tpu.memory_space<vmem>>, vector<16xf32>,
          %parallel_loop3A_261 = arith.mulf %parallel_loop3A_260, %gather3A_162 : vector<16xf32>
          %parallel_loop3A_262 = arith.index_cast %parallel_loop3A_255 : i32 to index
          %parallel_loop3A_263 = tpu.vector_load %arg13[%parallel_loop3A_262] {strides = array<i32>} : memref<4096xf32, #tpu.memory_space<vmem>>, vector<16xf32>,
          %parallel_loop3A_264 = arith.mulf %parallel_loop3A_263, %gather3A_163 : vector<16xf32>
          %parallel_loop3A_265 = vector.bitcast %parallel_loop3A_258 : vector<16xf32> to vector<16xi32>
          %parallel_loop3A_266 = vector.broadcast %scan3A_91 : i32 to vector<16xi32>
          %parallel_loop3A_267 = arith.andi %parallel_loop3A_265, %parallel_loop3A_266 : vector<16xi32>
          %parallel_loop3A_268 = vector.bitcast %parallel_loop3A_261 : vector<16xf32> to vector<16xi32>
          %parallel_loop3A_269 = vector.broadcast %scan3A_91 : i32 to vector<16xi32>
          %parallel_loop3A_270 = arith.andi %parallel_loop3A_268, %parallel_loop3A_269 : vector<16xi32>
          %parallel_loop3A_271 = vector.bitcast %parallel_loop3A_264 : vector<16xf32> to vector<16xi32>
          %parallel_loop3A_272 = vector.broadcast %scan3A_91 : i32 to vector<16xi32>
          %parallel_loop3A_273 = arith.andi %parallel_loop3A_271, %parallel_loop3A_272 : vector<16xi32>
          %parallel_loop3A_274 = arith.maxui %parallel_loop3A_267, %parallel_loop3A_270 : vector<16xi32>
          %parallel_loop3A_275 = arith.maxui %parallel_loop3A_274, %parallel_loop3A_273 : vector<16xi32>
          %parallel_loop3A_276 = vector.broadcast %scan3A_92 : i32 to vector<16xi32>
          %parallel_loop3A_277 = arith.andi %parallel_loop3A_275, %parallel_loop3A_276 : vector<16xi32>
          %parallel_loop3A_278 = vector.broadcast %scan3A_93 : i32 to vector<16xi32>
          %parallel_loop3A_279 = arith.maxui %parallel_loop3A_277, %parallel_loop3A_278 : vector<16xi32>
          %parallel_loop3A_280 = vector.broadcast %scan3A_94 : i32 to vector<16xi32>
          %parallel_loop3A_281 = arith.subi %parallel_loop3A_280, %parallel_loop3A_279 : vector<16xi32>
          %parallel_loop3A_282 = vector.bitcast %parallel_loop3A_281 : vector<16xi32> to vector<16xf32>
          %parallel_loop3A_283 = arith.mulf %parallel_loop3A_258, %parallel_loop3A_282 : vector<16xf32>
          %parallel_loop3A_284 = arith.fptosi %parallel_loop3A_283 : vector<16xf32> to vector<16xi32>
          %parallel_loop3A_285 = arith.mulf %parallel_loop3A_261, %parallel_loop3A_282 : vector<16xf32>
          %parallel_loop3A_286 = arith.fptosi %parallel_loop3A_285 : vector<16xf32> to vector<16xi32>
          %parallel_loop3A_287 = arith.mulf %parallel_loop3A_264, %parallel_loop3A_282 : vector<16xf32>
          %parallel_loop3A_288 = arith.fptosi %parallel_loop3A_287 : vector<16xf32> to vector<16xi32>
          %parallel_loop3A_289 = arith.addi %parallel_loop3A_286, %parallel_loop3A_288 : vector<16xi32>
          %parallel_loop3A_290 = arith.addi %parallel_loop3A_284, %parallel_loop3A_289 : vector<16xi32>
          %parallel_loop3A_291 = arith.sitofp %parallel_loop3A_290 : vector<16xi32> to vector<16xf32>
          %parallel_loop3A_292 = vector.broadcast %scan3A_95 : i32 to vector<16xi32>
          %parallel_loop3A_293 = arith.addi %parallel_loop3A_279, %parallel_loop3A_292 : vector<16xi32>
          %parallel_loop3A_294 = vector.bitcast %parallel_loop3A_293 : vector<16xi32> to vector<16xf32>
          %parallel_loop3A_295 = arith.mulf %parallel_loop3A_291, %parallel_loop3A_294 : vector<16xf32>
          %parallel_loop3A_296 = arith.index_cast %parallel_loop3A_255 : i32 to index
          %parallel_loop3A_297 = tpu.vector_load %arg14[%parallel_loop3A_296] {strides = array<i32>} : memref<4096xf32, #tpu.memory_space<vmem>>, vector<16xf32>,
          %parallel_loop3A_298 = arith.addf %parallel_loop3A_295, %parallel_loop3A_297 : vector<16xf32>
          %parallel_loop3A_299 = arith.addf %parallel_loop3A_298, %add3A_168 : vector<16xf32>
          %parallel_loop3A_300 = arith.constant 16 : i32
          %parallel_loop3A_301 = arith.muli %parallel_loop3A_250, %parallel_loop3A_300 : i32
          %parallel_loop3A_302 = arith.index_cast %parallel_loop3A_301 : i32 to index
          %parallel_loop3A_303 = tpu.vector_load %arg15[%parallel_loop3A_302] {strides = array<i32>} : memref<1024xf32, #tpu.memory_space<vmem>>, vector<16xf32>,
          %parallel_loop3A_304 = arith.minimumf %parallel_loop3A_303, %parallel_loop3A_299 : vector<16xf32>
          %parallel_loop3A_305 = arith.index_cast %parallel_loop3A_301 : i32 to index
          %parallel_loop3A_306 = tpu.vector_load %arg15[%parallel_loop3A_305] {strides = array<i32>} : memref<1024xf32, #tpu.memory_space<vmem>>, vector<16xf32>,
          tpu.vector_store %arg15[%parallel_loop3A_305], %parallel_loop3A_304 {strides = array<i32>} : memref<1024xf32, #tpu.memory_space<vmem>>, vector<16xf32>,
          %parallel_loop3A_307 = arith.cmpf ogt, %parallel_loop3A_304, %parallel_loop3A_251 : vector<16xf32>
          %parallel_loop3A_308 = arith.select %parallel_loop3A_307, %parallel_loop3A_304, %parallel_loop3A_251 : vector<16xi1>, vector<16xf32>
          %parallel_loop3A_309 = arith.addi %mul3A_90, %parallel_loop3A_250 : i32
          %parallel_loop3A_310 = vector.broadcast %parallel_loop3A_309 : i32 to vector<16xi32>
          %parallel_loop3A_311 = arith.select %parallel_loop3A_307, %parallel_loop3A_310, %parallel_loop3A_252 : vector<16xi1>, vector<16xi32>
          scf.yield %parallel_loop3A_308, %parallel_loop3A_311 : vector<16xf32>, vector<16xi32>
        } {sc.loop_unroll_factor = 8 : i64, sc.parallel_access}
        %mul3A_176 = arith.constant 16 : i32
        %mul3A_177 = vector.broadcast %mul3A_176 : i32 to vector<16xi32>
        %mul3A_178 = arith.muli %parallel_loop3A_175#1, %mul3A_177 : vector<16xi32>
        %add3A_179 = arith.addi %mul3A_178, %iota3A : vector<16xi32>
        %reduce_max3A = arith.constant true
        %reduce_max3A_180 = vector.broadcast %reduce_max3A : i1 to vector<16xi1>
        %reduce_max3A_181 = tpu.scan <max>, %parallel_loop3A_175#0 masked %reduce_max3A_180 : vector<16xf32>, vector<16xi1> -> vector<16xf32>
        %reduce_max3A_182 = vector.extract %reduce_max3A_181[15] : f32 from vector<16xf32>
        %eq3A_183 = vector.broadcast %reduce_max3A_182 : f32 to vector<16xf32>
        %eq3A_184 = arith.cmpf oeq, %parallel_loop3A_175#0, %eq3A_183 : vector<16xf32>
        %jit3A_185 = arith.constant 4096 : i32
        %broadcast_in_dim3A_186 = vector.broadcast %jit3A_185 : i32 to vector<16xi32>
        %select_n3A_187 = arith.select %eq3A_184, %add3A_179, %broadcast_in_dim3A_186 : vector<16xi1>, vector<16xi32>
        %reduce_min3A = arith.constant true
        %reduce_min3A_188 = vector.broadcast %reduce_min3A : i1 to vector<16xi1>
        %reduce_min3A_189 = arith.constant -2147483648 : i32
        %reduce_min3A_190 = vector.broadcast %reduce_min3A_189 : i32 to vector<16xi32>
        %reduce_min3A_191 = arith.xori %select_n3A_187, %reduce_min3A_190 : vector<16xi32>
        %reduce_min3A_192 = tpu.scan <min>, %reduce_min3A_191 masked %reduce_min3A_188 : vector<16xi32>, vector<16xi1> -> vector<16xi32>
        %reduce_min3A_193 = arith.xori %reduce_min3A_192, %reduce_min3A_190 : vector<16xi32>
        %reduce_min3A_194 = vector.extract %reduce_min3A_193[15] : i32 from vector<16xi32>
        %and3A_195 = arith.constant 1 : i32
        %and3A_196 = arith.andi %scan3A_152, %and3A_195 : i32
        %bitcast_convert_type3A = arith.bitcast %reduce_max3A_182 : f32 to i32
        %eq3A_197 = arith.constant 0 : i32
        %eq3A_198 = vector.broadcast %eq3A_197 : i32 to vector<16xi32>
        %eq3A_199 = arith.cmpi eq, %iota3A, %eq3A_198 : vector<16xi32>
        %broadcast_in_dim3A_200 = vector.broadcast %bitcast_convert_type3A : i32 to vector<16xi32>
        %broadcast_in_dim3A_201 = vector.broadcast %reduce_min3A_194 : i32 to vector<16xi32>
        %select_n3A_202 = arith.select %eq3A_199, %broadcast_in_dim3A_200, %broadcast_in_dim3A_201 : vector<16xi1>, vector<16xi32>
        %swap3A_203 = arith.constant 0 : index
        %swap3A_204 = tpu.vector_load %arg23[%swap3A_203] {strides = array<i32>} : memref<16xi32, #tpu.memory_space<vmem>>, vector<16xi32>,
        tpu.vector_store %arg23[%swap3A_203], %select_n3A_202 {strides = array<i32>} : memref<16xi32, #tpu.memory_space<vmem>>, vector<16xi32>,
        %mul3A_205 = arith.constant 128 : i32
        %mul3A_206 = arith.muli %and3A_196, %mul3A_205 : i32
        %mul3A_207 = arith.constant 8 : i32
        %mul3A_208 = arith.muli %arg1, %mul3A_207 : i32
        %add3A_209 = arith.addi %mul3A_206, %mul3A_208 : i32
        "tpu.region"() ({
          %run_scoped3A = tpu.sem_alloc : memref<!tpu.dma_semaphore, #tpu.memory_space<semaphore_mem>>
          %dma_start3A_250 = arith.constant 0 : i32
          %dma_start3A_251 = tpu.memref_slice %arg23[%dma_start3A_250] : memref<16xi32, #tpu.memory_space<vmem>> -> memref<8xi32, #tpu.memory_space<vmem>>
          %dma_start3A_252 = tpu.memref_slice %arg26[%add3A_209] : memref<256xi32, #tpu.memory_space<vmem_shared>> -> memref<8xi32, #tpu.memory_space<vmem_shared>>
          %dma_start3A_253 = tpu.memref_slice %arg26[%add3A_209] : memref<256xi32, #tpu.memory_space<vmem_shared>> -> memref<8xi32, #tpu.memory_space<vmem_shared>>
          %dma_start3A_254 = arith.constant 0 : i32
          %dma_start3A_255 = tpu.memref_slice %arg23[%dma_start3A_254] : memref<16xi32, #tpu.memory_space<vmem>> -> memref<8xi32, #tpu.memory_space<vmem>>
          tpu.enqueue_dma source(%dma_start3A_255 : memref<8xi32, #tpu.memory_space<vmem>>) target(%dma_start3A_253 : memref<8xi32, #tpu.memory_space<vmem_shared>>) target_semaphore(%run_scoped3A : memref<!tpu.dma_semaphore, #tpu.memory_space<semaphore_mem>>)
          %dma_wait3A_256 = arith.constant 0 : i32
          %dma_wait3A_257 = tpu.memref_slice %arg23[%dma_wait3A_256] : memref<16xi32, #tpu.memory_space<vmem>> -> memref<8xi32, #tpu.memory_space<vmem>>
          %dma_wait3A_258 = tpu.memref_slice %arg26[%add3A_209] : memref<256xi32, #tpu.memory_space<vmem_shared>> -> memref<8xi32, #tpu.memory_space<vmem_shared>>
          %dma_wait3A_259 = tpu.memref_slice %arg26[%add3A_209] : memref<256xi32, #tpu.memory_space<vmem_shared>> -> memref<8xi32, #tpu.memory_space<vmem_shared>>
          %dma_wait3A_260 = arith.constant 0 : i32
          %dma_wait3A_261 = tpu.memref_slice %arg23[%dma_wait3A_260] : memref<16xi32, #tpu.memory_space<vmem>> -> memref<8xi32, #tpu.memory_space<vmem>>
          tpu.wait_dma2 semaphore(%run_scoped3A : memref<!tpu.dma_semaphore, #tpu.memory_space<semaphore_mem>>) src(%dma_wait3A_261 : memref<8xi32, #tpu.memory_space<vmem>>) dst(%dma_wait3A_259 : memref<8xi32, #tpu.memory_space<vmem_shared>>)
          tpu.yield
        }) : () -> ()
        %barrier3A = arith.constant 0 : index
        tpu.barrier barrier_id(%barrier3A)
        %mul3A_210 = arith.constant 8 : i32
        %mul3A_211 = arith.muli %mul3A_56, %mul3A_210 : i32
        %add3A_212 = arith.addi %mul3A_206, %mul3A_211 : i32
        "tpu.region"() ({
          %run_scoped3A = tpu.sem_alloc : memref<!tpu.dma_semaphore, #tpu.memory_space<semaphore_mem>>
          %dma_start3A_250 = tpu.memref_slice %arg26[%add3A_212] : memref<256xi32, #tpu.memory_space<vmem_shared>> -> memref<32xi32, #tpu.memory_space<vmem_shared>>
          %dma_start3A_251 = tpu.memref_slice %arg26[%add3A_212] : memref<256xi32, #tpu.memory_space<vmem_shared>> -> memref<32xi32, #tpu.memory_space<vmem_shared>>
          tpu.enqueue_dma source(%dma_start3A_251 : memref<32xi32, #tpu.memory_space<vmem_shared>>) target(%arg24 : memref<32xi32, #tpu.memory_space<vmem>>) target_semaphore(%run_scoped3A : memref<!tpu.dma_semaphore, #tpu.memory_space<semaphore_mem>>)
          %dma_wait3A_252 = tpu.memref_slice %arg26[%add3A_212] : memref<256xi32, #tpu.memory_space<vmem_shared>> -> memref<32xi32, #tpu.memory_space<vmem_shared>>
          %dma_wait3A_253 = tpu.memref_slice %arg26[%add3A_212] : memref<256xi32, #tpu.memory_space<vmem_shared>> -> memref<32xi32, #tpu.memory_space<vmem_shared>>
          tpu.wait_dma2 semaphore(%run_scoped3A : memref<!tpu.dma_semaphore, #tpu.memory_space<semaphore_mem>>) src(%dma_wait3A_253 : memref<32xi32, #tpu.memory_space<vmem_shared>>) dst(%arg24 : memref<32xi32, #tpu.memory_space<vmem>>)
          tpu.yield
        }) : () -> ()
        %get3A = arith.constant 0 : index
        %get3A_213 = tpu.vector_load %arg24[%get3A] {strides = array<i32>} : memref<32xi32, #tpu.memory_space<vmem>>, vector<16xi32>,
        %get3A_214 = arith.constant 16 : index
        %get3A_215 = tpu.vector_load %arg24[%get3A_214] {strides = array<i32>} : memref<32xi32, #tpu.memory_space<vmem>>, vector<16xi32>,
        %bitcast3A = vector.bitcast %get3A_213 : vector<16xi32> to vector<16xf32>
        %bitcast3A_216 = vector.bitcast %get3A_215 : vector<16xi32> to vector<16xf32>
        %slice3A = vector.extract_strided_slice %bitcast3A {offsets = [0], sizes = [1], strides = [1]} : vector<16xf32> to vector<1xf32>
        %squeeze3A = vector.extract %slice3A[0] : f32 from vector<1xf32>
        %slice3A_217 = vector.extract_strided_slice %bitcast3A {offsets = [8], sizes = [1], strides = [1]} : vector<16xf32> to vector<1xf32>
        %squeeze3A_218 = vector.extract %slice3A_217[0] : f32 from vector<1xf32>
        %slice3A_219 = vector.extract_strided_slice %bitcast3A_216 {offsets = [0], sizes = [1], strides = [1]} : vector<16xf32> to vector<1xf32>
        %squeeze3A_220 = vector.extract %slice3A_219[0] : f32 from vector<1xf32>
        %slice3A_221 = vector.extract_strided_slice %bitcast3A_216 {offsets = [8], sizes = [1], strides = [1]} : vector<16xf32> to vector<1xf32>
        %squeeze3A_222 = vector.extract %slice3A_221[0] : f32 from vector<1xf32>
        %slice3A_223 = vector.extract_strided_slice %get3A_213 {offsets = [1], sizes = [1], strides = [1]} : vector<16xi32> to vector<1xi32>
        %squeeze3A_224 = vector.extract %slice3A_223[0] : i32 from vector<1xi32>
        %slice3A_225 = vector.extract_strided_slice %get3A_213 {offsets = [9], sizes = [1], strides = [1]} : vector<16xi32> to vector<1xi32>
        %squeeze3A_226 = vector.extract %slice3A_225[0] : i32 from vector<1xi32>
        %slice3A_227 = vector.extract_strided_slice %get3A_215 {offsets = [1], sizes = [1], strides = [1]} : vector<16xi32> to vector<1xi32>
        %squeeze3A_228 = vector.extract %slice3A_227[0] : i32 from vector<1xi32>
        %slice3A_229 = vector.extract_strided_slice %get3A_215 {offsets = [9], sizes = [1], strides = [1]} : vector<16xi32> to vector<1xi32>
        %squeeze3A_230 = vector.extract %slice3A_229[0] : i32 from vector<1xi32>
        %gt3A = arith.cmpf ogt, %squeeze3A_218, %squeeze3A : f32
        %eq3A_231 = arith.cmpf oeq, %squeeze3A_218, %squeeze3A : f32
        %lt3A_232 = arith.cmpi slt, %squeeze3A_226, %squeeze3A_224 : i32
        %and3A_233 = arith.andi %eq3A_231, %lt3A_232 : i1
        %or3A = arith.ori %gt3A, %and3A_233 : i1
        %select_n3A_234 = arith.select %or3A, %squeeze3A_218, %squeeze3A : f32
        %select_n3A_235 = arith.select %or3A, %squeeze3A_226, %squeeze3A_224 : i32
        %gt3A_236 = arith.cmpf ogt, %squeeze3A_220, %select_n3A_234 : f32
        %eq3A_237 = arith.cmpf oeq, %squeeze3A_220, %select_n3A_234 : f32
        %lt3A_238 = arith.cmpi slt, %squeeze3A_228, %select_n3A_235 : i32
        %and3A_239 = arith.andi %eq3A_237, %lt3A_238 : i1
        %or3A_240 = arith.ori %gt3A_236, %and3A_239 : i1
        %select_n3A_241 = arith.select %or3A_240, %squeeze3A_220, %select_n3A_234 : f32
        %select_n3A_242 = arith.select %or3A_240, %squeeze3A_228, %select_n3A_235 : i32
        %gt3A_243 = arith.cmpf ogt, %squeeze3A_222, %select_n3A_241 : f32
        %eq3A_244 = arith.cmpf oeq, %squeeze3A_222, %select_n3A_241 : f32
        %lt3A_245 = arith.cmpi slt, %squeeze3A_230, %select_n3A_242 : i32
        %and3A_246 = arith.andi %eq3A_244, %lt3A_245 : i1
        %or3A_247 = arith.ori %gt3A_243, %and3A_246 : i1
        %select_n3A_248 = arith.select %or3A_247, %squeeze3A_222, %select_n3A_241 : f32
        %select_n3A_249 = arith.select %or3A_247, %squeeze3A_230, %select_n3A_242 : i32
        scf.yield %select_n3A_249, %select_n3A_158 : i32, vector<16xi32>
      }
      %scan3A_148 = arith.constant 16 : i32
      %mul3A_149 = arith.constant 16 : i32
      %mul3A_150 = arith.muli %scan3A_139, %mul3A_149 : i32
      %swap3A = arith.index_cast %mul3A_150 : i32 to index
      %swap3A_151 = tpu.vector_load %arg17[%swap3A] {strides = array<i32>} : memref<2048xi32, #tpu.memory_space<vmem>>, vector<16xi32>,
      tpu.vector_store %arg17[%swap3A], %scan3A_147#1 {strides = array<i32>} : memref<2048xi32, #tpu.memory_space<vmem>>, vector<16xi32>,
      scf.yield %scan3A_147#0 : i32
    }
    %scan3A_102 = arith.constant 128 : i32
    %mul3A_103 = arith.constant 512 : i32
    %mul3A_104 = arith.muli %select_n3A_30, %mul3A_103 : i32
    %scan3A_105 = arith.constant 0 : i32
    %scan3A_106 = arith.constant 0 : i32
    %scan3A_107 = arith.constant 32 : i32
    %scan3A_108 = arith.addi %scan3A_106, %scan3A_107 : i32
    %scan3A_109 = arith.constant 1 : i32
    scf.for %scan3A_139 = %scan3A_106 to %scan3A_108 step %scan3A_109  : i32 {
      %mul3A_140 = arith.constant 16 : i32
      %mul3A_141 = arith.muli %scan3A_139, %mul3A_140 : i32
      %mul3A_142 = arith.constant 16 : i32
      %mul3A_143 = arith.muli %scan3A_139, %mul3A_142 : i32
      %add3A_144 = arith.addi %mul3A_104, %mul3A_143 : i32
      %get3A = arith.index_cast %add3A_144 : i32 to index
      %get3A_145 = tpu.vector_load %arg17[%get3A] {strides = array<i32>} : memref<2048xi32, #tpu.memory_space<vmem>>, vector<16xi32>,
      %gather3A = tpu.vector_load_idx %arg8[%get3A_145] : memref<4096xf32, #tpu.memory_space<vmem>>[vector<16xi32>], vector<16xf32>,
      %swap3A = arith.index_cast %mul3A_141 : i32 to index
      %swap3A_146 = tpu.vector_load %arg19[%swap3A] {strides = array<i32>} : memref<512xf32, #tpu.memory_space<vmem>>, vector<16xf32>,
      tpu.vector_store %arg19[%swap3A], %gather3A {strides = array<i32>} : memref<512xf32, #tpu.memory_space<vmem>>, vector<16xf32>,
      %gather3A_147 = tpu.vector_load_idx %arg9[%get3A_145] : memref<4096xf32, #tpu.memory_space<vmem>>[vector<16xi32>], vector<16xf32>,
      %swap3A_148 = arith.index_cast %mul3A_141 : i32 to index
      %swap3A_149 = tpu.vector_load %arg20[%swap3A_148] {strides = array<i32>} : memref<512xf32, #tpu.memory_space<vmem>>, vector<16xf32>,
      tpu.vector_store %arg20[%swap3A_148], %gather3A_147 {strides = array<i32>} : memref<512xf32, #tpu.memory_space<vmem>>, vector<16xf32>,
      %gather3A_150 = tpu.vector_load_idx %arg10[%get3A_145] : memref<4096xf32, #tpu.memory_space<vmem>>[vector<16xi32>], vector<16xf32>,
      %swap3A_151 = arith.index_cast %mul3A_141 : i32 to index
      %swap3A_152 = tpu.vector_load %arg21[%swap3A_151] {strides = array<i32>} : memref<512xf32, #tpu.memory_space<vmem>>, vector<16xf32>,
      tpu.vector_store %arg21[%swap3A_151], %gather3A_150 {strides = array<i32>} : memref<512xf32, #tpu.memory_space<vmem>>, vector<16xf32>,
      %gather3A_153 = tpu.vector_load_idx %arg16[%get3A_145] : memref<4096xf32, #tpu.memory_space<vmem>>[vector<16xi32>], vector<16xf32>,
      %swap3A_154 = arith.index_cast %mul3A_141 : i32 to index
      %swap3A_155 = tpu.vector_load %arg22[%swap3A_154] {strides = array<i32>} : memref<512xf32, #tpu.memory_space<vmem>>, vector<16xf32>,
      tpu.vector_store %arg22[%swap3A_154], %gather3A_153 {strides = array<i32>} : memref<512xf32, #tpu.memory_space<vmem>>, vector<16xf32>,
      %mul3A_156 = arith.constant 4096 : i32
      %mul3A_157 = arith.muli %add3A, %mul3A_156 : i32
      %add3A_158 = vector.broadcast %mul3A_157 : i32 to vector<16xi32>
      %add3A_159 = arith.addi %get3A_145, %add3A_158 : vector<16xi32>
      %swap3A_160 = arith.index_cast %mul3A_141 : i32 to index
      %swap3A_161 = tpu.vector_load %arg18[%swap3A_160] {strides = array<i32>} : memref<512xi32, #tpu.memory_space<vmem>>, vector<16xi32>,
      tpu.vector_store %arg18[%swap3A_160], %add3A_159 {strides = array<i32>} : memref<512xi32, #tpu.memory_space<vmem>>, vector<16xi32>,
    }
    %scan3A_110 = arith.constant 32 : i32
    %mul3A_111 = arith.constant 3 : i32
    %mul3A_112 = arith.muli %add3A, %mul3A_111 : i32
    %add3A_113 = arith.constant 0 : i32
    %add3A_114 = arith.addi %mul3A_112, %add3A_113 : i32
    %mul3A_115 = arith.constant 2048 : i32
    %mul3A_116 = arith.muli %add3A_114, %mul3A_115 : i32
    %add3A_117 = arith.addi %mul3A_116, %mul3A_104 : i32
    "tpu.region"() ({
      %run_scoped3A = tpu.sem_alloc : memref<!tpu.dma_semaphore, #tpu.memory_space<semaphore_mem>>
      %dma_start3A_139 = tpu.memref_slice %arg5[%add3A_117] : memref<49152xf32, #tpu.memory_space<hbm>> -> memref<512xf32, #tpu.memory_space<hbm>>
      %dma_start3A_140 = tpu.memref_slice %arg5[%add3A_117] : memref<49152xf32, #tpu.memory_space<hbm>> -> memref<512xf32, #tpu.memory_space<hbm>>
      tpu.enqueue_dma source(%arg19 : memref<512xf32, #tpu.memory_space<vmem>>) target(%dma_start3A_140 : memref<512xf32, #tpu.memory_space<hbm>>) target_semaphore(%run_scoped3A : memref<!tpu.dma_semaphore, #tpu.memory_space<semaphore_mem>>)
      %dma_wait3A_141 = tpu.memref_slice %arg5[%add3A_117] : memref<49152xf32, #tpu.memory_space<hbm>> -> memref<512xf32, #tpu.memory_space<hbm>>
      %dma_wait3A_142 = tpu.memref_slice %arg5[%add3A_117] : memref<49152xf32, #tpu.memory_space<hbm>> -> memref<512xf32, #tpu.memory_space<hbm>>
      tpu.wait_dma2 semaphore(%run_scoped3A : memref<!tpu.dma_semaphore, #tpu.memory_space<semaphore_mem>>) src(%arg19 : memref<512xf32, #tpu.memory_space<vmem>>) dst(%dma_wait3A_142 : memref<512xf32, #tpu.memory_space<hbm>>)
      tpu.yield
    }) : () -> ()
    %mul3A_118 = arith.constant 3 : i32
    %mul3A_119 = arith.muli %add3A, %mul3A_118 : i32
    %add3A_120 = arith.constant 1 : i32
    %add3A_121 = arith.addi %mul3A_119, %add3A_120 : i32
    %mul3A_122 = arith.constant 2048 : i32
    %mul3A_123 = arith.muli %add3A_121, %mul3A_122 : i32
    %add3A_124 = arith.addi %mul3A_123, %mul3A_104 : i32
    "tpu.region"() ({
      %run_scoped3A = tpu.sem_alloc : memref<!tpu.dma_semaphore, #tpu.memory_space<semaphore_mem>>
      %dma_start3A_139 = tpu.memref_slice %arg5[%add3A_124] : memref<49152xf32, #tpu.memory_space<hbm>> -> memref<512xf32, #tpu.memory_space<hbm>>
      %dma_start3A_140 = tpu.memref_slice %arg5[%add3A_124] : memref<49152xf32, #tpu.memory_space<hbm>> -> memref<512xf32, #tpu.memory_space<hbm>>
      tpu.enqueue_dma source(%arg20 : memref<512xf32, #tpu.memory_space<vmem>>) target(%dma_start3A_140 : memref<512xf32, #tpu.memory_space<hbm>>) target_semaphore(%run_scoped3A : memref<!tpu.dma_semaphore, #tpu.memory_space<semaphore_mem>>)
      %dma_wait3A_141 = tpu.memref_slice %arg5[%add3A_124] : memref<49152xf32, #tpu.memory_space<hbm>> -> memref<512xf32, #tpu.memory_space<hbm>>
      %dma_wait3A_142 = tpu.memref_slice %arg5[%add3A_124] : memref<49152xf32, #tpu.memory_space<hbm>> -> memref<512xf32, #tpu.memory_space<hbm>>
      tpu.wait_dma2 semaphore(%run_scoped3A : memref<!tpu.dma_semaphore, #tpu.memory_space<semaphore_mem>>) src(%arg20 : memref<512xf32, #tpu.memory_space<vmem>>) dst(%dma_wait3A_142 : memref<512xf32, #tpu.memory_space<hbm>>)
      tpu.yield
    }) : () -> ()
    %mul3A_125 = arith.constant 3 : i32
    %mul3A_126 = arith.muli %add3A, %mul3A_125 : i32
    %add3A_127 = arith.constant 2 : i32
    %add3A_128 = arith.addi %mul3A_126, %add3A_127 : i32
    %mul3A_129 = arith.constant 2048 : i32
    %mul3A_130 = arith.muli %add3A_128, %mul3A_129 : i32
    %add3A_131 = arith.addi %mul3A_130, %mul3A_104 : i32
    "tpu.region"() ({
      %run_scoped3A = tpu.sem_alloc : memref<!tpu.dma_semaphore, #tpu.memory_space<semaphore_mem>>
      %dma_start3A_139 = tpu.memref_slice %arg5[%add3A_131] : memref<49152xf32, #tpu.memory_space<hbm>> -> memref<512xf32, #tpu.memory_space<hbm>>
      %dma_start3A_140 = tpu.memref_slice %arg5[%add3A_131] : memref<49152xf32, #tpu.memory_space<hbm>> -> memref<512xf32, #tpu.memory_space<hbm>>
      tpu.enqueue_dma source(%arg21 : memref<512xf32, #tpu.memory_space<vmem>>) target(%dma_start3A_140 : memref<512xf32, #tpu.memory_space<hbm>>) target_semaphore(%run_scoped3A : memref<!tpu.dma_semaphore, #tpu.memory_space<semaphore_mem>>)
      %dma_wait3A_141 = tpu.memref_slice %arg5[%add3A_131] : memref<49152xf32, #tpu.memory_space<hbm>> -> memref<512xf32, #tpu.memory_space<hbm>>
      %dma_wait3A_142 = tpu.memref_slice %arg5[%add3A_131] : memref<49152xf32, #tpu.memory_space<hbm>> -> memref<512xf32, #tpu.memory_space<hbm>>
      tpu.wait_dma2 semaphore(%run_scoped3A : memref<!tpu.dma_semaphore, #tpu.memory_space<semaphore_mem>>) src(%arg21 : memref<512xf32, #tpu.memory_space<vmem>>) dst(%dma_wait3A_142 : memref<512xf32, #tpu.memory_space<hbm>>)
      tpu.yield
    }) : () -> ()
    %mul3A_132 = arith.constant 2048 : i32
    %mul3A_133 = arith.muli %add3A, %mul3A_132 : i32
    %add3A_134 = arith.addi %mul3A_133, %mul3A_104 : i32
    "tpu.region"() ({
      %run_scoped3A = tpu.sem_alloc : memref<!tpu.dma_semaphore, #tpu.memory_space<semaphore_mem>>
      %dma_start3A_139 = tpu.memref_slice %arg7[%add3A_134] : memref<16384xf32, #tpu.memory_space<hbm>> -> memref<512xf32, #tpu.memory_space<hbm>>
      %dma_start3A_140 = tpu.memref_slice %arg7[%add3A_134] : memref<16384xf32, #tpu.memory_space<hbm>> -> memref<512xf32, #tpu.memory_space<hbm>>
      tpu.enqueue_dma source(%arg22 : memref<512xf32, #tpu.memory_space<vmem>>) target(%dma_start3A_140 : memref<512xf32, #tpu.memory_space<hbm>>) target_semaphore(%run_scoped3A : memref<!tpu.dma_semaphore, #tpu.memory_space<semaphore_mem>>)
      %dma_wait3A_141 = tpu.memref_slice %arg7[%add3A_134] : memref<16384xf32, #tpu.memory_space<hbm>> -> memref<512xf32, #tpu.memory_space<hbm>>
      %dma_wait3A_142 = tpu.memref_slice %arg7[%add3A_134] : memref<16384xf32, #tpu.memory_space<hbm>> -> memref<512xf32, #tpu.memory_space<hbm>>
      tpu.wait_dma2 semaphore(%run_scoped3A : memref<!tpu.dma_semaphore, #tpu.memory_space<semaphore_mem>>) src(%arg22 : memref<512xf32, #tpu.memory_space<vmem>>) dst(%dma_wait3A_142 : memref<512xf32, #tpu.memory_space<hbm>>)
      tpu.yield
    }) : () -> ()
    %dma_start3A = arith.constant 0 : i32
    %dma_start3A_135 = arith.constant 0 : i32
    %dma_start3A_136 = tpu.memref_slice %arg3[%dma_start3A, %dma_start3A_135] : memref<32768x64xf32, #tpu.memory_space<hbm>> -> memref<32768x64xf32, #tpu.memory_space<hbm>>
    tpu.enqueue_indirect_dma source(%dma_start3A_136 : memref<32768x64xf32, #tpu.memory_space<hbm>>) target(%arg25 : memref<512x64xf32, #tpu.memory_space<vmem>>) offsets(%arg18 : memref<512xi32, #tpu.memory_space<vmem>>) semaphore(%arg27 : memref<!tpu.dma_semaphore, #tpu.memory_space<semaphore_mem>>)
    %dma_wait3A = arith.constant 0 : i32
    %dma_wait3A_137 = arith.constant 0 : i32
    %dma_wait3A_138 = tpu.memref_slice %arg3[%dma_wait3A, %dma_wait3A_137] : memref<32768x64xf32, #tpu.memory_space<hbm>> -> memref<32768x64xf32, #tpu.memory_space<hbm>>
    tpu.wait_indirect_dma semaphore(%arg27 : memref<!tpu.dma_semaphore, #tpu.memory_space<semaphore_mem>>) src(%dma_wait3A_138 : memref<32768x64xf32, #tpu.memory_space<hbm>>) dst(%arg25 : memref<512x64xf32, #tpu.memory_space<vmem>>)
    "tpu.region"() ({
      %run_scoped3A = tpu.sem_alloc : memref<!tpu.dma_semaphore, #tpu.memory_space<semaphore_mem>>
      %dma_start3A_139 = arith.constant 0 : i32
      %dma_start3A_140 = tpu.memref_slice %arg6[%add3A, %mul3A_104, %dma_start3A_139] : memref<8x2048x64xf32, #tpu.memory_space<hbm>> -> memref<1x512x64xf32, #tpu.memory_space<hbm>>
      %dma_start3A_141 = tpu.memref_squeeze %dma_start3A_140 : memref<1x512x64xf32, #tpu.memory_space<hbm>> -> memref<512x64xf32, #tpu.memory_space<hbm>>
      %dma_start3A_142 = arith.constant 0 : i32
      %dma_start3A_143 = tpu.memref_slice %arg6[%add3A, %mul3A_104, %dma_start3A_142] : memref<8x2048x64xf32, #tpu.memory_space<hbm>> -> memref<1x512x64xf32, #tpu.memory_space<hbm>>
      %dma_start3A_144 = tpu.memref_squeeze %dma_start3A_143 : memref<1x512x64xf32, #tpu.memory_space<hbm>> -> memref<512x64xf32, #tpu.memory_space<hbm>>
      tpu.enqueue_dma source(%arg25 : memref<512x64xf32, #tpu.memory_space<vmem>>) target(%dma_start3A_144 : memref<512x64xf32, #tpu.memory_space<hbm>>) target_semaphore(%run_scoped3A : memref<!tpu.dma_semaphore, #tpu.memory_space<semaphore_mem>>)
      %dma_wait3A_145 = arith.constant 0 : i32
      %dma_wait3A_146 = tpu.memref_slice %arg6[%add3A, %mul3A_104, %dma_wait3A_145] : memref<8x2048x64xf32, #tpu.memory_space<hbm>> -> memref<1x512x64xf32, #tpu.memory_space<hbm>>
      %dma_wait3A_147 = tpu.memref_squeeze %dma_wait3A_146 : memref<1x512x64xf32, #tpu.memory_space<hbm>> -> memref<512x64xf32, #tpu.memory_space<hbm>>
      %dma_wait3A_148 = arith.constant 0 : i32
      %dma_wait3A_149 = tpu.memref_slice %arg6[%add3A, %mul3A_104, %dma_wait3A_148] : memref<8x2048x64xf32, #tpu.memory_space<hbm>> -> memref<1x512x64xf32, #tpu.memory_space<hbm>>
      %dma_wait3A_150 = tpu.memref_squeeze %dma_wait3A_149 : memref<1x512x64xf32, #tpu.memory_space<hbm>> -> memref<512x64xf32, #tpu.memory_space<hbm>>
      tpu.wait_dma2 semaphore(%run_scoped3A : memref<!tpu.dma_semaphore, #tpu.memory_space<semaphore_mem>>) src(%arg25 : memref<512x64xf32, #tpu.memory_space<vmem>>) dst(%dma_wait3A_150 : memref<512x64xf32, #tpu.memory_space<hbm>>)
      tpu.yield
    }) : () -> ()
    return
  }
}

</mosaic_0001>

<sc_bundles>
// kernel: _fps_call.3.cloned.1.call-start
scs
__scs_entry_jumppad:
0x0: {  	(pc) =	sbr.rel $0x88, $3  }
0x1: {  	(tag) =	ssettag $0x0;
	lr =	simm.s32 $0x1  }
0x2: {  	[smem:$0x3F9E] =	sst lr;
	_ =	strace $0xD0000000  }
0x3: {  	_ = 	snop  }
0x4: {  	_ = 	snop  }
0x5: {  	_ = 	snop  }
0x6: {  	_ = 	snop  }
0x7: {  	_ = 	snop  }
__scs_overlays_trampoline_lowered:
0x8: {  	[smem:$0x3FAD] =	sst s0  }
0x9: {  	[smem:$0x3FAE] =	sst s1  }
0xa: {  	[smem:$0x3FAF] =	sst s2  }
0xb: {  	[smem:$0x3FB0] =	sst s3  }
0xc: {  	[smem:$0x3FB1] =	sst s4  }
0xd: {  	[smem:$0x3FB2] =	sst s5  }
0xe: {  	[smem:$0x3FB3] =	sst s6  }
0xf: {  	[smem:$0x3FB4] =	sst s7  }
0x10: {  	[smem:$0x3FB5] =	sst s8  }
0x11: {  	[smem:$0x3FB6] =	sst s9;
	s0 =	simm.s32 @!p0 $0x0  }
0x12: {  	s1 =	sld [smem:$0x3F9C];
	s0 =	simm.s32 @p0 $0x1  }
0x13: {  	[smem:$0x3FB7] =	sst s0;
	s0 =	simm.s32 @!p1 $0x0  }
0x14: {  	s2 =	sld [smem:$0x3F9B];
	s0 =	simm.s32 @p1 $0x1  }
0x15: {  	[smem:$0x3FB8] =	sst s0;
	s0 =	simm.s32 @!p2 $0x0  }
0x16: {  	s3 =	sld [smem:$0x3FDB];
	s0 =	simm.s32 @p2 $0x1  }
0x17: {  	s4 =	simm.s32 $0x1BF5;
	[smem:$0x3FBA] =	sst s0  }
0x18: {  	s0 =	sld [smem:$0x3F9D];
	_ =	swait.ge [sflag:s4], $0x0  }
0x19: {  	s7 =	sld [smem:$0x3F9E]  }
0x1a: {  	s8 =	sadd.s32 $0xFFFFE003, lr  }
0x1b: {  	s9 =	sadd.s32 $0xFFFFFEF7, lr;
	s5 =	simm.s32 $0xFFFFFFFF;
	p2 =	slt.u32 s8, $0xFFFFF086  }
0x1c: {  	p1 =	slt.u32 s9, $0xF7A;
	s5 =	simm.s32 @!p2 $0x0  }
0x1d: {  	s5 =	simm.s32 @p1 $0x1;
	p0 =	seq.s32 s7, s2  }
0x1e: {  	s7 =	smul.u32 @!p0 $0xF7A, s2;
	p2 =	seq.s32 @!p0 s5, $0x0  }
0x1f: {  	s9 =	smul.u32 $0xF7A, s1;
	s8 =	simm.s32 @!p0 $0x1BF5;
	p2 =	por !p2, p0  }
0x20: {  	[sflag:s8] =	ssyncset.s32 @!p0 $0xFFFFF086;
	s6 =	sadd.s32 @!p0 s3, s7;
	s7 =	simm.s32 @!p0 $0x108  }
0x21: {  	s3 =	sadd.s32 s3, s9;
	s6 =	sadd.s32 @!p0 $0x88, s6;
	s7 =	simm.s32 @p2 $0x1082  }
0x22: {  	[simem:s7], [sflag:s8] =	dma.local @!p0 [hbm:s6], $0xF7A  }
0x23: {  	s9 =	sor.u32 $0xD0000000, s2;
	s6 =	simm.s32 $0x108;
	_ =	swait.ge @!p0 [sflag:s8], $0x0  }
0x24: {  	s3 =	sadd.s32 $0x88, s3;
	s6 =	simm.s32 @!p1 $0x1082;
	[sflag:s4] =	ssyncset.s32 $0xFFFFF086  }
0x25: {  	[simem:s6], [sflag:s4] =	dma.local [hbm:s3], $0xF7A  }
0x26: {  	[smem:$0x3F9E] =	sst s1;
	(tag) =	ssettag s2;
	_ =	strace s9  }
0x27: {  	s1 =	sld [smem:$0x3FAE]  }
0x28: {  	s2 =	sld [smem:$0x3FAF]  }
0x29: {  	s4 =	sld [smem:$0x3FB1]  }
0x2a: {  	p0 =	seq.s32 s5, $0x0;
	s5 =	sld [smem:$0x3FB2]  }
0x2b: {  	s6 =	sld [smem:$0x3FB3]  }
0x2c: {  	s7 =	sld [smem:$0x3FB4]  }
0x2d: {  	s3 =	simm.s32 $0x108;
	s8 =	sld [smem:$0x3FB5]  }
0x2e: {  	s3 =	simm.s32 @!p0 $0x1082;
	s9 =	sld [smem:$0x3FB6]  }
0x2f: {  	lr =	sadd.s32 s0, s3;
	s0 =	sld [smem:$0x3FAD]  }
0x30: {  	s3 =	sld [smem:$0x3FB0]  }
0x31: {  	[smem:$0x3FB9] =	sst s10  }
0x32: {  	s10 =	sld [smem:$0x3FB7];
	_ =	sdelay $0x3  }
0x33: {  	p0 =	seq.s32 s10, $0x1;
	s10 =	sld [smem:$0x3FB9];
	_ =	sdelay $0x3  }
0x34: {  	[smem:$0x3FB9] =	sst s10  }
0x35: {  	s10 =	sld [smem:$0x3FB8];
	_ =	sdelay $0x3  }
0x36: {  	p1 =	seq.s32 s10, $0x1;
	s10 =	sld [smem:$0x3FB9];
	_ =	sdelay $0x3  }
0x37: {  	[smem:$0x3FB9] =	sst s10  }
0x38: {  	s10 =	sld [smem:$0x3FBA]  }
0x39: {  	_ = 	snop;
	(pc) =	sbr.ind lr, $3  }
0x3a: {  	_ = 	snop  }
0x3b: {  	_ = 	snop  }
0x3c: {  	p2 =	seq.s32 s10, $0x1;
	s10 =	sld [smem:$0x3FB9]  }
0x3d: {  	_ =	shalt  }
0x3e: {  	_ =	shalt  }
0x3f: {  	_ =	shalt  }
0x40: {  	_ =	shalt  }
0x41: {  	_ =	shalt  }
0x42: {  	_ =	shalt  }
0x43: {  	_ =	shalt  }
0x44: {  	_ =	shalt  }
0x45: {  	_ =	shalt  }
0x46: {  	_ =	shalt  }
0x47: {  	_ =	shalt  }
0x48: {  	_ =	shalt  }
0x49: {  	_ =	shalt  }
0x4a: {  	_ =	shalt  }
0x4b: {  	_ =	shalt  }
0x4c: {  	_ =	shalt  }
0x4d: {  	_ =	shalt  }
0x4e: {  	_ =	shalt  }
0x4f: {  	_ =	shalt  }
0x50: {  	_ =	shalt  }
0x51: {  	_ =	shalt  }
0x52: {  	_ =	shalt  }
0x53: {  	_ =	shalt  }
0x54: {  	_ =	shalt  }
0x55: {  	_ =	shalt  }
0x56: {  	_ =	shalt  }
0x57: {  	_ =	shalt  }
0x58: {  	_ =	shalt  }
0x59: {  	_ =	shalt  }
0x5a: {  	_ =	shalt  }
0x5b: {  	_ =	shalt  }
0x5c: {  	_ =	shalt  }
0x5d: {  	_ =	shalt  }
0x5e: {  	_ =	shalt  }
0x5f: {  	_ =	shalt  }
0x60: {  	_ =	shalt  }
0x61: {  	_ =	shalt  }
0x62: {  	_ =	shalt  }
0x63: {  	_ =	shalt  }
0x64: {  	_ =	shalt  }
0x65: {  	_ =	shalt  }
0x66: {  	_ =	shalt  }
0x67: {  	_ =	shalt  }
0x68: {  	_ =	shalt  }
0x69: {  	_ =	shalt  }
0x6a: {  	_ =	shalt  }
0x6b: {  	_ =	shalt  }
0x6c: {  	_ =	shalt  }
0x6d: {  	_ =	shalt  }
0x6e: {  	_ =	shalt  }
0x6f: {  	_ =	shalt  }
0x70: {  	_ =	shalt  }
0x71: {  	_ =	shalt  }
0x72: {  	_ =	shalt  }
0x73: {  	_ =	shalt  }
0x74: {  	_ =	shalt  }
0x75: {  	_ =	shalt  }
0x76: {  	_ =	shalt  }
0x77: {  	_ =	shalt  }
0x78: {  	_ =	shalt  }
0x79: {  	_ =	shalt  }
0x7a: {  	_ =	shalt  }
0x7b: {  	_ =	shalt  }
0x7c: {  	_ =	shalt  }
0x7d: {  	_ =	shalt  }
0x7e: {  	_ =	shalt  }
0x7f: {  	_ =	shalt  }
0x80: {  	_ =	shalt  }
0x81: {  	_ =	shalt  }
0x82: {  	_ =	shalt  }
0x83: {  	_ =	shalt  }
0x84: {  	_ =	shalt  }
0x85: {  	_ =	shalt  }
0x86: {  	_ =	shalt  }
0x87: {  	_ =	shalt  }
.Lfunc_end0:
.L_simem_size_0:
called_computation_lowered:
.L_overlay_start_0:
0x88: {  	s2 =	sld [smem:$0x3FD9]  }
0x89: {  	s3 =	sld [smem:$0x3FFE];
	_ =	sdelay $0x1  }
0x8a: {  	s1 =	srdreg.scid  }
0x8b: {  	s0 =	sand.u32 $0x1, s1  }
0x8c: {  	s14 =	sshll.u32 s0, $0xA;
	s2 =	sadd.s32 s3, s2  }
0x8d: {  	s2 =	sadd.s32 s2, s14  }
0x8e: {  	[smem:$0x3FC5] =	sst s2  }
0x8f: {  	_ = 	snop  }
0x90: {  	s2 =	sld [smem:$0x3FD0];
	_ =	sdelay $0x1  }
0x91: {  	s15 =	sld [smem:$0x3FC9]  }
0x92: {  	s5 =	simm.s32 $0xA;
	s6 =	simm.s32 $0x10;
	s4 =	sld [smem:$0x3FC7]  }
0x93: {  	[smem:s6], [sflag:s5] =	dma.local [hbm:s2], $0x1  }
0x94: {  	_ =	swait.eq [sflag:s5], $0x1  }
0x95: {  	s16 =	sld [smem:$0x10];
	[sflag:s5] =	ssyncset.done $0x0  }
0x96: {  	s17 =	sld [smem:$0x11];
	[sflag:s5] =	ssyncadd.s32 $0xFFFFFFFF  }
0x97: {  	s18 =	sld [smem:$0x12];
	(tm) =	ssettm $0x1  }
0x98: {  	s7 =	sld [smem:$0x3FFB];
	_ =	sdelay $0x3  }
0x99: {  	_ =	strace s7  }
0x9a: {  	s7 =	sld [smem:$0x3FFC];
	_ =	sdelay $0x3  }
0x9b: {  	_ =	strace s7  }
0x9c: {  	s7 =	sld [smem:$0x3FFD];
	_ =	sdelay $0x3  }
0x9d: {  	_ =	strace s7  }
0x9e: {  	_ =	strace $0x8FFFFFFF  }
0x9f: {  	s19 =	sld [smem:$0x3FDB];
	_ =	sdelay $0x1  }
0xa0: {  	s8 =	simm.s32 $_scs_section_size  }
0xa1: {  	s9 =	simm.s32 $_size__tile_overlayer_lowered;
	s10 =	simm.s32 $_tile_overlayer_lowered  }
0xa2: {  	s22 =	simm.s32 $0x1BFF;
	s21 =	sshll.u32 s10, $0x1;
	s7 =	sadd.s32 s8, s19  }
0xa3: {  	s11 =	simm.s32 $0x0;
	s20 =	sshll.u32 s9, $0x1;
	s9 =	sadd.s32 s21, s7  }
0xa4: {  	[timem:s11], [sflag:s22] =	dma.local [hbm:s9], s20  }
0xa5: {  	_ =	swait.ge [sflag:s22], s20  }
0xa6: {  	s8 =	ssub.s32 $0x0, s20;
	[sflag:s22] =	ssyncset.done $0x0  }
0xa7: {  	[sflag:s22] =	ssyncadd.s32 s8;
	_ =	sdelay $0x1  }
0xa8: {  	s23 =	simm.s32 $0x1B8B  }
0xa9: {  	_ =	swait.ge [sflag:s23], $0x1  }
0xaa: {  	[sflag:s23] =	ssyncset.done $0x0  }
0xab: {  	s25 =	simm.s32 $0x1B8E;
	s24 =	sld [smem:$0x3FFE];
	[sflag:s23] =	ssyncadd.s32 $0xFFFFFFFF  }
0xac: {  	s26 =	simm.s32 $execute0_lowered;
	[smem:$0x3FD2] =	sst s25  }
0xad: {  	s9 =	sshll.u32 s26, $0x1;
	_ =	strace $0x80000046;
	[dreg:$0x1] =	wrdreg $0xFFFFFFFF  }
0xae: {  	s28 =	simm.s32 $_size_execute0_lowered;
	s7 =	sadd.s32 s7, s9;
	[dreg:$0x0] =	wrdreg $0x0  }
0xaf: {  	s9 =	sshll.u32 s28, $0x1;
	[dreg:$0x2] =	wrdreg s7  }
0xb0: {  	[dreg:$0x3] =	wrdreg s9  }
0xb1: {  	[dreg:$0x4] =	wrdreg $0xC0  }
0xb2: {  	_ =	task [dreg:s11], $0x5FFFF  }
0xb3: {  	[dreg:$0x1] =	wrdreg $0xFFFFFFFF  }
0xb4: {  	[dreg:$0x0] =	wrdreg $0x60  }
0xb5: {  	[dreg:$0x2] =	wrdreg s15  }
0xb6: {  	[dreg:$0x3] =	wrdreg s24  }
0xb7: {  	[dreg:$0x4] =	wrdreg s4  }
0xb8: {  	[dreg:$0x5] =	wrdreg s16  }
0xb9: {  	[dreg:$0x6] =	wrdreg s17  }
0xba: {  	[dreg:$0x7] =	wrdreg s18  }
0xbb: {  	[dreg:$0x8] =	wrdreg $0x116300  }
0xbc: {  	[dreg:$0x9] =	wrdreg $0x9  }
0xbd: {  	_ =	task.clear_ibuf [dreg:s11], $0xAFFFF;
	_ =	strace $0x90000046  }
0xbe: {  	s29 =	simm.s32 $0x9;
	_ =	strace $0x80000048  }
0xbf: {  	_ =	swait.ge [sflag:s29], $0x1  }
0xc0: {  	[sflag:s29] =	ssyncadd.s32 $0xFFFFFFFF  }
0xc1: {  	_ =	strace $0x90000048  }
0xc2: {  	_ =	sfence  }
0xc3: {  	s30 =	sld [smem:$0x0];
	_ =	sdelay $0x2  }
0xc4: {  	s31 =	sshll.u32 s1, $0xD;
	s1 =	sshrl.u32 s1, $0x2  }
0xc5: {  	s3 =	sand.u32 $0x4000, s31;
	s1 =	sadd.s32 s1, s30  }
0xc6: {  	s0 =	sor.u32 s3, s0;
	s1 =	sshll.u32 s1, $0x11  }
0xc7: {  	s0 =	sor.u32 s1, s0  }
0xc8: {  	s0 =	sadd.s32 $0x8F2B, s0  }
0xc9: {  	[sflag:s0] =	ssyncadd.remote.s32 $0x1  }
0xca: {  	_ =	sfence.sel $0xFFFF  }
0xcb: {  	[dreg:$0x0] =	wrdreg $0xFFFFFFFF;
	(pc) =	sbr.abs _section_cstart, $3  }
0xcc: {  	[dreg:$0x1] =	wrdreg $0xFFFFFFFF  }
0xcd: {  	_ =	task.clear_ibuf [dreg:s11], $0x2FFFF;
	_ =	strace $0x9FFFFFFF  }
0xce: {  	(tm) =	ssettm $0x7FFFFFFF  }
0xcf: {  	_ =	shalt  }
tec
execute0_lowered:
.L_overlay_start_1:
0x0: {  	(tag) =	ssettag $0x1  }
0x1: {  	s0 =	rddreg [dreg:$0x0]  }
0x2: {  	s1 =	rddreg [dreg:$0x1]  }
0x3: {  	s4 =	rddreg [dreg:$0x2]  }
0x4: {  	s5 =	rddreg [dreg:$0x3]  }
0x5: {  	s6 =	rddreg [dreg:$0x4]  }
0x6: {  	s7 =	rddreg [dreg:$0x5];
	s3 =	srdreg.scid  }
0x7: {  	s2 =	rddreg [dreg:$0x6];
	s16 =	stileid.u32;
	s28 =	simm.s32 $0x4000  }
0x8: {  	s29 =	simm.s32 $0x5000;
	s30 =	simm.s32 $0x9600;
	s31 =	simm.s32 $0x9610  }
0x9: {  	s8 =	sand.u32 $0x1, s3;
	s10 =	sshrl.u32 s16, $0x2;
	s3 =	simm.s32 $0x0  }
0xa: {  	s1 =	sadd.s32 $0x800, s1;
	s14 =	sand.u32 $0x3, s16;
	s18 =	sshll.u32 s16, $0x5  }
0xb: {  	s9 =	sshll.u32 s8, $0x2;
	s8 =	ssub.s32 $0x2, s8;
	[smem:$0x7FF] =	sst s3  }
0xc: {  	s17 =	sshll.u32 s14, $0x9;
	s11 =	sor.u32 s10, s9;
	s20 =	sshrl.u32 s8, $0x1  }
0xd: {  	_ =	strace $0x80000047;
	[dreg:$0x8] =	wrdreg s1;
	s9 =	sshll.u32 s14, $0x6  }
0xe: {  	s10 =	sshll.u32 s10, $0x7;
	s19 =	sadd.s32 $0x8400, s17;
	s12 =	smul.u32 $0x3, s11  }
0xf: {  	s21 =	ssub.s32 s8, s20;
	s22 =	smul.u32 $0x600, s11;
	s25 =	sshll.u32 s11, $0x9  }
0x10: {  	s26 =	smul.u32 $0x1800, s11;
	s20 =	simm.s32 $0x2;
	s4 =	sadd.s32 s4, s25  }
0x11: {  	s25 =	sshll.u32 s11, $0xE;
	s1 =	smax.u32 s21, $0x1;
	s21 =	simm.s32 $0x1000  }
0x12: {  	s13 =	sadd.s32 $0x1, s12;
	s12 =	sadd.s32 $0x2, s12;
	[dreg:$0xc] =	wrdreg s4  }
0x13: {  	s8 =	sadd.s32 s0, s22;
	[dreg:$0x12] =	wrdreg s1;
	s22 =	sshrl.u32 s18, $0x2  }
0x14: {  	s1 =	simm.s32 $0x1;
	s23 =	sshll.u32 s13, $0x9;
	s15 =	sshll.u32 s12, $0x9  }
0x15: {  	[dreg:$0x9] =	wrdreg s8;
	s13 =	sshll.u32 s13, $0xB;
	s12 =	sshll.u32 s12, $0xB  }
0x16: {  	s24 =	sadd.s32 s0, s23;
	s0 =	sadd.s32 s0, s15;
	s15 =	sor.u32 s17, s26  }
0x17: {  	s13 =	sor.u32 s17, s13;
	s12 =	sor.u32 s17, s12;
	[dreg:$0xa] =	wrdreg s24  }
0x18: {  	s23 =	sshll.u32 s11, $0xB;
	[dreg:$0xb] =	wrdreg s0;
	s0 =	sshll.u32 s11, $0xC  }
0x19: {  	s15 =	sshrl.u32 s15, $0x3;
	s13 =	sshrl.u32 s13, $0x3;
	s12 =	sshrl.u32 s12, $0x3  }
0x1a: {  	s4 =	sor.u32 s17, s23;
	s24 =	sshll.u32 s14, $0xC;
	s23 =	sshrl.u32 s10, $0x2  }
0x1b: {  	s15 =	sadd.s32 s5, s15;
	s13 =	sadd.s32 s5, s13;
	s5 =	sadd.s32 s5, s12  }
0x1c: {  	s4 =	sshrl.u32 s4, $0x3;
	s6 =	sadd.s32 s6, s24;
	[dreg:$0xd] =	wrdreg s15  }
0x1d: {  	v1 =	vmov s19;
	s26 =	sshrl.u32 s24, $0x2;
	s24 =	simm.s32 $0x2000;
	[dreg:$0xe] =	wrdreg s13  }
0x1e: {  	[dreg:$0xf] =	wrdreg s5;
	s4 =	sadd.s32 s7, s4;
	s14 =	sor.u32 $0x6040, s26  }
0x1f: {  	s17 =	sor.u32 $0x5040, s26;
	s13 =	sor.u32 $0x4040, s26;
	s12 =	sor.u32 $0x3040, s26  }
0x20: {  	v2 =	vimm.f32 $1.000000000e+10;
	s26 =	simm.s32 $0x3000;
	[dreg:$0x10] =	wrdreg s4;
	s4 =	sadd.s32 s25, s6  }
0x21: {  	v3 =	vlaneseq.u32;
	vm0 =	vmmov $0x1;
	v0 =	vmov s0;
	s25 =	simm.s32 $0x7400;
	[dreg:$0x11] =	wrdreg s4;
	s4 =	simm.s32 $0x0  }
.LBB2_1:
0x22: {  	s0 =	rddreg [dreg:$0x9]  }
0x23: {  	[tilespmem:s3], [sflag:$0x2] =	stream.linear.gather [hbm4b:s0+s3], $0x1000, $0x38;
	[tilespmem:$0x11640] =	vst v63  }
0x24: {  	_ =	swait.ge [sflag:s20], $0x1000  }
0x25: {  	[sflag:s20] =	ssyncset.done $0x0  }
0x26: {  	s16 =	rddreg [dreg:$0xa];
	[sflag:s20] =	ssyncadd.s32 $0xFFFFF000  }
0x27: {  	[tilespmem:s21], [sflag:$0x2] =	stream.linear.gather [hbm4b:s16+s3], $0x1000, $0x38;
	[tilespmem:$0x11640] =	vst v63  }
0x28: {  	_ =	swait.ge [sflag:s20], $0x1000  }
0x29: {  	[sflag:s20] =	ssyncset.done $0x0  }
0x2a: {  	s18 =	rddreg [dreg:$0xb];
	[sflag:s20] =	ssyncadd.s32 $0xFFFFF000  }
0x2b: {  	[tilespmem:s24], [sflag:$0x2] =	stream.linear.gather [hbm4b:s18+s3], $0x1000, $0x38;
	[tilespmem:$0x11640] =	vst v63  }
0x2c: {  	_ =	swait.ge [sflag:s20], $0x1000  }
0x2d: {  	[sflag:s20] =	ssyncset.done $0x0  }
0x2e: {  	s19 =	rddreg [dreg:$0xc];
	[sflag:s20] =	ssyncadd.s32 $0xFFFFF000  }
0x2f: {  	[tilespmem:s25], [sflag:$0x2] =	stream.linear.gather [hbm4b:s19+s3], $0x1000, $0x38;
	[tilespmem:$0x11640] =	vst v63  }
0x30: {  	_ =	swait.ge [sflag:s20], $0x1000  }
0x31: {  	[sflag:s20] =	ssyncset.done $0x0  }
0x32: {  	s6 =	simm.s32 $0x0;
	[sflag:s20] =	ssyncadd.s32 $0xFFFFF000  }
0x33: {  	v4 =	vld [tilespmem:s6+$0x0]  }
0x34: {  	v5 =	vld [tilespmem:s6+$0x1000]  }
0x35: {  	v8 =	vld [tilespmem:s6+$0x2000];
	_ =	sdelay $0x3  }
0x36: {  	s5 =	simm.s32 $0x10;
	v7 =	vmul.f32 v4, v4;
	v9 =	vmul.f32 v5, v5;
	v10 =	vshrl.u32 v4, $0x10  }
0x37: {  	v6 =	vld [tilespmem:s5+$0x0];
	v11 =	vshrl.u32 v5, $0x10;
	v12 =	vmul.f32 v8, v8;
	v13 =	vshrl.u32 v8, $0x10  }
0x38: {  	v10 =	vand.u32 $0x1, v10;
	v11 =	vand.u32 $0x1, v11;
	v9 =	vadd.f32 v9, v7;
	v7 =	vld [tilespmem:s5+$0x1000]  }
0x39: {  	v10 =	vadd.s32 v10, v4;
	v5 =	vadd.s32 v11, v5;
	v11 =	vand.u32 $0x1, v13  }
0x3a: {  	v4 =	vld [tilespmem:s5+$0x2000];
	v10 =	vadd.s32 $0x7FFF, v10;
	v8 =	vadd.s32 v11, v8  }
0x3b: {  	v5 =	vadd.s32 $0x7FFF, v5;
	v9 =	vadd.f32 v12, v9;
	v10 =	vand.u32 $0xFFFF0000, v10  }
0x3c: {  	v11 =	vshrl.u32 v6, $0x10;
	v8 =	vadd.s32 $0x7FFF, v8;
	v13 =	vand.u32 $0xFFFF0000, v5;
	[tilespmem:s6+$0x3000] =	vst v10  }
0x3d: {  	s7 =	simm.s32 $0x20;
	[tilespmem:s6+$0x6000] =	vst v9;
	v9 =	vmul.f32 v6, v6;
	v10 =	vshrl.u32 v7, $0x10;
	v12 =	vmul.f32 v7, v7  }
0x3e: {  	s8 =	simm.s32 $0xC0;
	v11 =	vand.u32 $0x1, v11;
	v8 =	vand.u32 $0xFFFF0000, v8;
	v5 =	vld [tilespmem:s7+$0x0];
	[tilespmem:s6+$0x4000] =	vst v13;
	v10 =	vand.u32 $0x1, v10  }
.LBB2_2:
0x3f: {  	p0 =	sne.s32 s8, $0x3FC0;
	v13 =	vld [tilespmem:s7+$0x1000];
	v9 =	vadd.f32 v12, v9;
	v12 =	vmul.f32 v4, v4;
	v14 =	vshrl.u32 v4, $0x10;
	[tilespmem:s6+$0x5000] =	vst v8;
	s6 =	smov.u32 s5;
	s5 =	smov.u32 s7  }
0x40: {  	v6 =	vadd.s32 v11, v6;
	v7 =	vadd.s32 v10, v7;
	v8 =	vand.u32 $0x1, v14  }
.Ltmp0:
0x41: {  	v15 =	vadd.s32 $0x7FFF, v6;
	v9 =	vadd.f32 v12, v9;
	v8 =	vadd.s32 v8, v4;
	v4 =	vld [tilespmem:s5+$0x2000];
	(pc) =	sbr.rel @p0 .LBB2_2-.Ltmp0, $4  }
0x42: {  	v10 =	vand.u32 $0xFFFF0000, v15;
	v12 =	vadd.s32 $0x7FFF, v7;
	v16 =	vadd.s32 $0x7FFF, v8  }
0x43: {  	v14 =	vand.u32 $0xFFFF0000, v12;
	v11 =	vshrl.u32 v5, $0x10;
	[tilespmem:s6+$0x6000] =	vst v9;
	v8 =	vand.u32 $0xFFFF0000, v16;
	v6 =	vmovc v5  }
0x44: {  	s7 =	sshra.s32 s8, $0x2;
	v9 =	vmul.f32 v5, v6;
	v12 =	vmul.f32 v13, v13;
	v15 =	vshrl.u32 v13, $0x10;
	[tilespmem:s6+$0x3000] =	vst v10;
	v7 =	vmovc v13  }
0x45: {  	s8 =	sadd.s32 $0x40, s8;
	v11 =	vand.u32 $0x1, v11;
	v5 =	vld [tilespmem:s7+$0x0];
	v10 =	vand.u32 $0x1, v15;
	[tilespmem:s6+$0x4000] =	vst v14  }
0x46: {  	v13 =	vld [tilespmem:s7+$0x1000];
	v9 =	vadd.f32 v12, v9;
	[tilespmem:s6+$0x5000] =	vst v8;
	v51 =	vmul.f32 v4, v4  }
0x47: {  	v52 =	vshrl.u32 v4, $0x10;
	v6 =	vadd.s32 v11, v6;
	v7 =	vadd.s32 v10, v7;
	v53 =	vld [tilespmem:s7+$0x2000]  }
0x48: {  	v54 =	vand.u32 $0x1, v52;
	v6 =	vadd.s32 $0x7FFF, v6;
	v7 =	vadd.s32 $0x7FFF, v7  }
0x49: {  	v8 =	vadd.f32 v51, v9;
	v4 =	vadd.s32 v54, v4;
	v6 =	vand.u32 $0xFFFF0000, v6  }
0x4a: {  	v7 =	vand.u32 $0xFFFF0000, v7;
	v4 =	vadd.s32 $0x7FFF, v4;
	v55 =	vmul.f32 v5, v5  }
0x4b: {  	v57 =	vshrl.u32 v5, $0x10;
	v4 =	vand.u32 $0xFFFF0000, v4;
	v56 =	vmul.f32 v13, v13  }
0x4c: {  	[tilespmem:s5+$0x3000] =	vst v6;
	v58 =	vshrl.u32 v13, $0x10;
	v60 =	vand.u32 $0x1, v57;
	v59 =	vmul.f32 v53, v53  }
0x4d: {  	[tilespmem:s5+$0x6000] =	vst v8;
	v8 =	vand.u32 $0x1, v58;
	v61 =	vshrl.u32 v53, $0x10;
	v5 =	vadd.s32 v60, v5  }
0x4e: {  	p0 =	por $0x1, $0x1;
	[tilespmem:s5+$0x5000] =	vst v4;
	v9 =	vadd.f32 v56, v55;
	v4 =	vadd.s32 v8, v13;
	v5 =	vadd.s32 $0x7FFF, v5  }
.Ltmp1:
0x4f: {  	[tilespmem:s5+$0x4000] =	vst v7;
	v7 =	vand.u32 $0x1, v61;
	v5 =	vand.u32 $0xFFFF0000, v5;
	v4 =	vadd.s32 $0x7FFF, v4;
	(pc) =	sbr.rel @!p0 .LBB2_5-.Ltmp1, $4  }
0x50: {  	v7 =	vadd.s32 v7, v53;
	v62 =	vadd.f32 v59, v9;
	v4 =	vand.u32 $0xFFFF0000, v4;
	[tilespmem:s7+$0x3000] =	vst v5  }
0x51: {  	v63 =	vadd.s32 $0x7FFF, v7;
	[tilespmem:s7+$0x4000] =	vst v4  }
0x52: {  	v5 =	vand.u32 $0xFFFF0000, v63;
	[tilespmem:s7+$0x6000] =	vst v62  }
0x53: {  	s8 =	simm.s32 $0x0;
	s6 =	simm.s32 $0x0;
	s5 =	simm.s32 $0x40;
	[tilespmem:s7+$0x5000] =	vst v5  }
.LBB2_4:
0x54: {  	p0 =	sne.s32 s5, $0xFC0;
	[tilespmem:s6+$0x7000] =	vst v2;
	s6 =	smov.u32 s5;
	s5 =	sadd.s32 $0x40, s5  }
.Ltmp2:
0x55: {  	(pc) =	sbr.rel @p0 .LBB2_4-.Ltmp2, $2  }
0x56: {  	_ =	sdelay $0x2  }
0x57: {  	s6 =	sshra.s32 s6, $0x2  }
.LBB2_5:
0x58: {  	[tilespmem:s6+$0x7000] =	vst v2;
	s5 =	simm.s32 $0x0  }
.LBB2_6:
0x59: {  	s6 =	simm.s32 $0x0;
	v4 =	vimm.s32 $0x0  }
.LBB2_7:
0x5a: {  	v13 =	vld [tilespmem:s17+$0x30]  }
0x5b: {  	v14 =	vld [tilespmem:s12+$0x30]  }
0x5c: {  	v15 =	vld [tilespmem:s13+$0x30]  }
0x5d: {  	v16 =	vld [tilespmem:s17+$0x20]  }
0x5e: {  	v17 =	vld [tilespmem:s12+$0x20]  }
0x5f: {  	v18 =	vld [tilespmem:s13+$0x20]  }
0x60: {  	v19 =	vld [tilespmem:s17+$0x10]  }
0x61: {  	v20 =	vld [tilespmem:s12+$0x10]  }
0x62: {  	v5 =	vmov s8;
	v21 =	vld [tilespmem:s13+$0x10]  }
0x63: {  	v22 =	vld [tilespmem:s17+$0x0]  }
0x64: {  	v23 =	vld [tilespmem:s12+$0x0]  }
0x65: {  	v24 =	vld [tilespmem:s13+$0x0]  }
0x66: {  	v25 =	vld [tilespmem:s17+$0xFFFFFFF0]  }
0x67: {  	v9 =	vld.idx.msk [tilespmem:v5+s3+$0x0], $0xffff  }
0x68: {  	v12 =	vld.idx.msk [tilespmem:v5+s21+$0x0], $0xffff  }
0x69: {  	v11 =	vld.idx.msk [tilespmem:v5+s24+$0x0], $0xffff  }
0x6a: {  	v6 =	vld.idx.msk [tilespmem:v5+s26+$0x0], $0xffff  }
0x6b: {  	v8 =	vld.idx.msk [tilespmem:v5+s29+$0x0], $0xffff  }
0x6c: {  	v7 =	vld.idx.msk [tilespmem:v5+s28+$0x0], $0xffff  }
0x6d: {  	v26 =	vld [tilespmem:s12+$0xFFFFFFF0]  }
0x6e: {  	v27 =	vld [tilespmem:s13+$0xFFFFFFF0];
	v10 =	vmul.f32 v9, v9  }
0x6f: {  	v28 =	vld [tilespmem:s17+$0xFFFFFFE0];
	v11 =	vmul.f32 v11, v11;
	v9 =	vmul.f32 v12, v12  }
0x70: {  	v29 =	vld [tilespmem:s13+$0xFFFFFFE0];
	v13 =	vmul.f32 v13, v8;
	v14 =	vmul.f32 v14, v6  }
0x71: {  	v30 =	vld [tilespmem:s17+$0xFFFFFFD0];
	v15 =	vmul.f32 v15, v7;
	v17 =	vmul.f32 v17, v6  }
0x72: {  	v31 =	vld [tilespmem:s12+$0xFFFFFFD0];
	v16 =	vmul.f32 v16, v8;
	v18 =	vmul.f32 v18, v7  }
0x73: {  	v32 =	vld [tilespmem:s13+$0xFFFFFFD0];
	v20 =	vmul.f32 v20, v6;
	v19 =	vmul.f32 v19, v8  }
0x74: {  	v33 =	vld [tilespmem:s17+$0xFFFFFFC0];
	v22 =	vmul.f32 v22, v8;
	v21 =	vmul.f32 v21, v7  }
0x75: {  	v34 =	vld [tilespmem:s12+$0xFFFFFFC0];
	v23 =	vmul.f32 v23, v6;
	v24 =	vmul.f32 v24, v7  }
0x76: {  	v35 =	vld [tilespmem:s13+$0xFFFFFFC0];
	v26 =	vmul.f32 v26, v6;
	v25 =	vmul.f32 v25, v8  }
0x77: {  	v28 =	vmul.f32 v28, v8;
	v27 =	vmul.f32 v27, v7  }
0x78: {  	v29 =	vmul.f32 v29, v7;
	v31 =	vmul.f32 v31, v6  }
0x79: {  	v30 =	vmul.f32 v30, v8;
	v33 =	vmul.f32 v33, v8  }
0x7a: {  	v32 =	vmul.f32 v32, v7;
	v34 =	vmul.f32 v34, v6  }
0x7b: {  	v35 =	vmul.f32 v35, v7;
	v37 =	vand.u32 $0x7FFFFFFF, v15;
	v38 =	vand.u32 $0x7FFFFFFF, v13  }
0x7c: {  	v39 =	vand.u32 $0x7FFFFFFF, v17;
	v40 =	vand.u32 $0x7FFFFFFF, v18;
	v41 =	vand.u32 $0x7FFFFFFF, v16  }
0x7d: {  	v42 =	vand.u32 $0x7FFFFFFF, v20;
	v43 =	vand.u32 $0x7FFFFFFF, v21;
	v44 =	vand.u32 $0x7FFFFFFF, v19  }
0x7e: {  	v45 =	vand.u32 $0x7FFFFFFF, v23;
	v46 =	vand.u32 $0x7FFFFFFF, v24;
	v47 =	vand.u32 $0x7FFFFFFF, v22  }
0x7f: {  	v48 =	vand.u32 $0x7FFFFFFF, v26;
	v49 =	vand.u32 $0x7FFFFFFF, v27;
	v50 =	vand.u32 $0x7FFFFFFF, v25  }
0x80: {  	v12 =	vld [tilespmem:s12+$0xFFFFFFE0];
	v52 =	vand.u32 $0x7FFFFFFF, v29;
	v54 =	vand.u32 $0x7FFFFFFF, v31;
	v55 =	vand.u32 $0x7FFFFFFF, v32  }
0x81: {  	v56 =	vand.u32 $0x7FFFFFFF, v30;
	v57 =	vand.u32 $0x7FFFFFFF, v34;
	v58 =	vand.u32 $0x7FFFFFFF, v35  }
0x82: {  	v42 =	vmax.u32 v42, v43;
	v43 =	vand.u32 $0x7FFFFFFF, v33;
	v39 =	vmax.u32 v39, v40  }
0x83: {  	v45 =	vmax.u32 v45, v46;
	v59 =	vmax.u32 v57, v58;
	v60 =	vmax.u32 v54, v55  }
0x84: {  	v61 =	vmax.u32 v45, v47;
	v42 =	vmax.u32 v42, v44;
	v39 =	vmax.u32 v39, v41  }
0x85: {  	v62 =	vmax.u32 v60, v56;
	v43 =	vmax.u32 v59, v43;
	v36 =	vmul.f32 v12, v6  }
0x86: {  	v12 =	vand.u32 $0x7FFFFFFF, v14;
	v39 =	vand.u32 $0x7F800000, v39;
	v42 =	vand.u32 $0x7F800000, v42  }
0x87: {  	v43 =	vand.u32 $0x7F800000, v43;
	v41 =	vand.u32 $0x7F800000, v62;
	v12 =	vmax.u32 v12, v37  }
0x88: {  	v42 =	vmax.u32 v42, $0xE000000;
	v39 =	vmax.u32 v39, $0xE000000;
	v41 =	vmax.u32 v41, $0xE000000  }
0x89: {  	v43 =	vmax.u32 v43, $0xE000000;
	v51 =	vand.u32 $0x7FFFFFFF, v36;
	v12 =	vmax.u32 v12, v38  }
0x8a: {  	v38 =	vand.u32 $0x7F800000, v61;
	v55 =	vsub.s32 $0x8C800000, v41;
	v56 =	vsub.s32 $0x8C800000, v43  }
0x8b: {  	v63 =	vmax.u32 v51, v52;
	v52 =	vmax.u32 v48, v49;
	v31 =	vmul.f32 v55, v31  }
0x8c: {  	v38 =	vmax.u32 v38, $0xE000000;
	v32 =	vmul.f32 v55, v32;
	v34 =	vmul.f32 v56, v34  }
0x8d: {  	v51 =	vsub.s32 $0x8C800000, v42;
	v30 =	vmul.f32 v55, v30;
	v35 =	vmul.f32 v56, v35  }
0x8e: {  	v33 =	vmul.f32 v56, v33;
	v40 =	vmax.u32 v52, v50;
	v20 =	vmul.f32 v51, v20  }
0x8f: {  	v50 =	vsub.s32 $0x8C800000, v39;
	v21 =	vmul.f32 v51, v21;
	v19 =	vmul.f32 v51, v19  }
0x90: {  	v52 =	vsub.s32 $0x8C800000, v38;
	v17 =	vmul.f32 v50, v17;
	v18 =	vmul.f32 v50, v18  }
0x91: {  	v53 =	vand.u32 $0x7FFFFFFF, v28;
	v16 =	vmul.f32 v50, v16;
	v23 =	vmul.f32 v52, v23  }
0x92: {  	v12 =	vand.u32 $0x7F800000, v12;
	v24 =	vmul.f32 v52, v24;
	v22 =	vmul.f32 v52, v22  }
0x93: {  	v37 =	vmax.u32 v63, v53;
	v31 =	vtrunc.f32 v31;
	v32 =	vtrunc.f32 v32  }
0x94: {  	v63 =	vmax.u32 v12, $0xE000000;
	v34 =	vtrunc.f32 v34;
	v30 =	vtrunc.f32 v30  }
0x95: {  	v49 =	vsub.s32 $0x8C800000, v63;
	v35 =	vtrunc.f32 v35;
	v33 =	vtrunc.f32 v33  }
0x96: {  	v14 =	vmul.f32 v49, v14;
	v15 =	vmul.f32 v49, v15  }
0x97: {  	v13 =	vmul.f32 v49, v13;
	v20 =	vtrunc.f32 v20  }
0x98: {  	v21 =	vtrunc.f32 v21;
	v19 =	vtrunc.f32 v19  }
0x99: {  	v31 =	vcvt.f32.s32 v31;
	v61 =	vcvt.f32.s32 v34  }
0x9a: {  	v30 =	vcvt.f32.s32 v30;
	v62 =	vcvt.f32.s32 v35  }
0x9b: {  	v40 =	vand.u32 $0x7F800000, v40;
	v33 =	vcvt.f32.s32 v33;
	v17 =	vtrunc.f32 v17  }
0x9c: {  	v37 =	vand.u32 $0x7F800000, v37;
	v18 =	vtrunc.f32 v18;
	v16 =	vtrunc.f32 v16  }
0x9d: {  	v12 =	vmax.u32 v40, $0xE000000;
	v23 =	vtrunc.f32 v23;
	v24 =	vtrunc.f32 v24  }
0x9e: {  	v37 =	vmax.u32 v37, $0xE000000;
	v22 =	vtrunc.f32 v22;
	v49 =	vcvt.f32.s32 v20  }
0x9f: {  	v53 =	vsub.s32 $0x8C800000, v12;
	v50 =	vcvt.f32.s32 v21;
	v57 =	vcvt.f32.s32 v19  }
0xa0: {  	v54 =	vsub.s32 $0x8C800000, v37;
	v26 =	vmul.f32 v53, v26;
	v27 =	vmul.f32 v53, v27  }
0xa1: {  	v36 =	vmul.f32 v54, v36;
	v25 =	vmul.f32 v53, v25  }
0xa2: {  	v10 =	vadd.f32 v11, v10;
	v29 =	vmul.f32 v54, v29;
	v28 =	vmul.f32 v54, v28  }
0xa3: {  	v14 =	vtrunc.f32 v14;
	v15 =	vtrunc.f32 v15  }
0xa4: {  	v9 =	vadd.f32 v10, v9;
	v13 =	vtrunc.f32 v13;
	v46 =	vcvt.f32.s32 v17  }
0xa5: {  	v10 =	vimm.f32 $-1.000000000e+00;
	v47 =	vcvt.f32.s32 v18;
	v48 =	vcvt.f32.s32 v16  }
0xa6: {  	v19 =	vadd.s32 $0x73000000, v63;
	v51 =	vcvt.f32.s32 v23;
	v58 =	vcvt.f32.s32 v24  }
0xa7: {  	s7 =	simm.s32 $0x7040;
	v21 =	vadd.s32 $0x73000000, v39;
	v59 =	vcvt.f32.s32 v22;
	v40 =	vcvt.f32.s32 v14  }
0xa8: {  	v63 =	vadd.s32 $0x73000000, v43;
	v20 =	vld [tilespmem:s7+$0xFFFFFFF0];
	v45 =	vcvt.f32.s32 v15;
	v11 =	vcvt.f32.s32 v13  }
0xa9: {  	v23 =	vadd.s32 $0x73000000, v42;
	v16 =	vld [tilespmem:s14+$0x30];
	v26 =	vtrunc.f32 v26;
	v27 =	vtrunc.f32 v27  }
0xaa: {  	v24 =	vadd.s32 $0x73000000, v38;
	v17 =	vld [tilespmem:s7+$0x0];
	v36 =	vtrunc.f32 v36;
	v25 =	vtrunc.f32 v25  }
0xab: {  	v18 =	vld [tilespmem:s14+$0x20];
	v50 =	vadd.s32 v57, v50;
	v29 =	vtrunc.f32 v29;
	v28 =	vtrunc.f32 v28  }
0xac: {  	v22 =	vld [tilespmem:s14+$0x10];
	v52 =	vadd.s32 v48, v47;
	v44 =	vcvt.f32.s32 v26;
	v26 =	vcvt.f32.s32 v27  }
0xad: {  	v13 =	vld [tilespmem:s7+$0x30];
	v56 =	vadd.s32 v59, v58;
	v36 =	vcvt.f32.s32 v36;
	v60 =	vcvt.f32.s32 v25  }
0xae: {  	v14 =	vld [tilespmem:s7+$0x20];
	v58 =	vadd.s32 v49, v50;
	v25 =	vcvt.f32.s32 v29;
	v28 =	vcvt.f32.s32 v28  }
0xaf: {  	v15 =	vld [tilespmem:s7+$0x10];
	v29 =	vcvt.f32.s32 v32;
	v27 =	vadd.s32 $0x73000000, v37;
	v11 =	vadd.s32 v11, v45  }
0xb0: {  	v57 =	vld [tilespmem:s14+$0xFFFFFFC0];
	v37 =	vadd.s32 $0x73000000, v41;
	v59 =	vadd.s32 v46, v52;
	v11 =	vadd.s32 v40, v11  }
0xb1: {  	v32 =	vld [tilespmem:s14+$0xFFFFFFD0];
	v55 =	vadd.s32 v28, v25;
	v39 =	vadd.s32 v60, v26;
	v26 =	vadd.s32 v33, v62  }
0xb2: {  	v25 =	vld [tilespmem:s7+$0xFFFFFFE0];
	v30 =	vadd.s32 v30, v29;
	v29 =	vcvt.s32.f32 v11;
	v28 =	vadd.s32 v61, v26  }
0xb3: {  	v33 =	vld [tilespmem:s7+$0xFFFFFFC0];
	v11 =	vadd.s32 v31, v30;
	v30 =	vcvt.s32.f32 v58;
	v60 =	vcvt.s32.f32 v28  }
0xb4: {  	v62 =	vadd.s32 v51, v56;
	v26 =	vld [tilespmem:s14+$0x0];
	v31 =	vcvt.s32.f32 v59;
	v11 =	vcvt.s32.f32 v11  }
0xb5: {  	v61 =	vadd.s32 v36, v55;
	v36 =	vld [tilespmem:s14+$0xFFFFFFE0];
	v34 =	vcvt.s32.f32 v62;
	v35 =	vmul.f32 v60, v63  }
0xb6: {  	s8 =	simm.s32 $0xFFFFFFF8;
	s10 =	simm.s32 $0x0;
	s11 =	sadd.s32 $0x80, s17;
	v28 =	vld [tilespmem:s7+$0xFFFFFFD0];
	v38 =	vcvt.s32.f32 v61;
	v63 =	vadd.s32 v44, v39;
	v40 =	vmul.f32 v11, v37  }
0xb7: {  	s19 =	smov.u32 s12;
	s18 =	smov.u32 s13;
	s16 =	smov.u32 s14;
	v11 =	vimm.s32 $0x0;
	v37 =	vcvt.s32.f32 v63;
	v39 =	vadd.f32 v35, v57;
	v35 =	vld [tilespmem:s14+$0xFFFFFFF0]  }
.LBB2_8:
0xb8: {  	v41 =	vld [tilespmem:s11+$0x30];
	v27 =	vmul.f32 v38, v27;
	v12 =	vadd.s32 $0x73000000, v12;
	v19 =	vmul.f32 v29, v19;
	s19 =	sadd.s32 $0x80, s19  }
0xb9: {  	v21 =	vmul.f32 v31, v21;
	s18 =	sadd.s32 $0x80, s18;
	v29 =	vld [tilespmem:s19+$0x30];
	v38 =	vadd.f32 v39, v9;
	v32 =	vadd.f32 v40, v32  }
0xba: {  	v23 =	vmul.f32 v30, v23;
	v12 =	vmul.f32 v37, v12;
	v31 =	vld [tilespmem:s18+$0x30];
	v27 =	vadd.f32 v27, v36  }
0xbb: {  	s15 =	sadd.s32 s8, s9;
	v24 =	vmul.f32 v34, v24;
	s8 =	smov.u32 s10;
	v30 =	vld [tilespmem:s11+$0x20];
	v33 =	vmin.f32 v33, v38;
	v32 =	vadd.f32 v32, v9  }
0xbc: {  	s0 =	sadd.s32 $0x8, s15;
	v34 =	vld [tilespmem:s19+$0x20];
	[tilespmem:s7+$0xFFFFFFC0] =	vst v33;
	vm1 =	vgt.f32 v33, v10;
	v27 =	vadd.f32 v27, v9;
	v12 =	vadd.f32 v12, v35  }
0xbd: {  	v35 =	vld [tilespmem:s18+$0x20];
	v10 =	vsel vm1, v33, v10;
	v11 =	vsel vm1, s0, v11;
	v28 =	vmin.f32 v28, v32  }
0xbe: {  	v24 =	vadd.f32 v24, v26;
	s0 =	sadd.s32 $0x9, s15;
	v32 =	vld [tilespmem:s11+$0x10];
	[tilespmem:s7+$0xFFFFFFD0] =	vst v28;
	vm1 =	vgt.f32 v28, v10;
	v12 =	vadd.f32 v12, v9  }
0xbf: {  	v25 =	vmin.f32 v25, v27;
	v26 =	vld [tilespmem:s19+$0x10];
	v10 =	vsel vm1, v28, v10;
	v11 =	vsel vm1, s0, v11  }
0xc0: {  	v22 =	vadd.f32 v23, v22;
	v24 =	vadd.f32 v24, v9;
	s0 =	sadd.s32 $0xA, s15;
	v27 =	vld [tilespmem:s18+$0x10];
	[tilespmem:s7+$0xFFFFFFE0] =	vst v25;
	vm1 =	vgt.f32 v25, v10  }
0xc1: {  	v12 =	vmin.f32 v20, v12;
	v23 =	vld [tilespmem:s11+$0x0];
	v10 =	vsel vm1, v25, v10;
	v11 =	vsel vm1, s0, v11  }
0xc2: {  	v18 =	vadd.f32 v21, v18;
	v22 =	vadd.f32 v22, v9;
	s0 =	sadd.s32 $0xB, s15;
	v20 =	vld [tilespmem:s19+$0x0];
	[tilespmem:s7+$0xFFFFFFF0] =	vst v12;
	vm1 =	vgt.f32 v12, v10  }
0xc3: {  	v21 =	vld [tilespmem:s18+$0x0];
	v10 =	vsel vm1, v12, v10;
	v11 =	vsel vm1, s0, v11;
	v12 =	vmin.f32 v17, v24  }
0xc4: {  	v16 =	vadd.f32 v19, v16;
	v18 =	vadd.f32 v18, v9;
	s0 =	sadd.s32 $0xC, s15;
	v17 =	vld [tilespmem:s11+$0xFFFFFFF0];
	[tilespmem:s7+$0x0] =	vst v12;
	vm1 =	vgt.f32 v12, v10  }
0xc5: {  	v19 =	vld [tilespmem:s19+$0xFFFFFFF0];
	v10 =	vsel vm1, v12, v10;
	v11 =	vsel vm1, s0, v11;
	v12 =	vmin.f32 v15, v22  }
0xc6: {  	v16 =	vadd.f32 v16, v9;
	v15 =	vmul.f32 v41, v8;
	s0 =	sadd.s32 $0xD, s15;
	v22 =	vld [tilespmem:s18+$0xFFFFFFF0];
	[tilespmem:s7+$0x10] =	vst v12;
	vm1 =	vgt.f32 v12, v10  }
0xc7: {  	v24 =	vld [tilespmem:s11+$0xFFFFFFE0];
	v10 =	vsel vm1, v12, v10;
	v11 =	vsel vm1, s0, v11;
	v12 =	vmin.f32 v14, v18  }
0xc8: {  	v25 =	vmul.f32 v31, v7;
	v18 =	vmul.f32 v29, v6;
	s0 =	sadd.s32 $0xE, s15;
	v14 =	vld [tilespmem:s19+$0xFFFFFFE0];
	[tilespmem:s7+$0x20] =	vst v12;
	vm1 =	vgt.f32 v12, v10  }
0xc9: {  	v28 =	vld [tilespmem:s18+$0xFFFFFFE0];
	v10 =	vsel vm1, v12, v10;
	v11 =	vsel vm1, s0, v11;
	v12 =	vmin.f32 v13, v16  }
0xca: {  	v29 =	vmul.f32 v30, v8;
	v16 =	vmul.f32 v34, v6;
	s0 =	sadd.s32 $0xF, s15;
	v13 =	vld [tilespmem:s11+$0xFFFFFFD0];
	[tilespmem:s7+$0x30] =	vst v12;
	vm1 =	vgt.f32 v12, v10  }
0xcb: {  	v31 =	vmul.f32 v35, v7;
	v30 =	vld [tilespmem:s19+$0xFFFFFFD0];
	v10 =	vsel vm1, v12, v10;
	v11 =	vsel vm1, s0, v11  }
0xcc: {  	v32 =	vmul.f32 v32, v8;
	v26 =	vmul.f32 v26, v6;
	v12 =	vld [tilespmem:s18+$0xFFFFFFD0]  }
0xcd: {  	v27 =	vmul.f32 v27, v7;
	v23 =	vmul.f32 v23, v8;
	v33 =	vld [tilespmem:s11+$0xFFFFFFC0]  }
0xce: {  	v20 =	vmul.f32 v20, v6;
	v21 =	vmul.f32 v21, v7;
	v34 =	vld [tilespmem:s19+$0xFFFFFFC0]  }
0xcf: {  	v17 =	vmul.f32 v17, v8;
	v19 =	vmul.f32 v19, v6;
	v35 =	vld [tilespmem:s18+$0xFFFFFFC0]  }
0xd0: {  	v22 =	vmul.f32 v22, v7;
	v24 =	vmul.f32 v24, v8  }
0xd1: {  	v14 =	vmul.f32 v14, v6;
	v28 =	vmul.f32 v28, v7  }
0xd2: {  	v13 =	vmul.f32 v13, v8;
	v30 =	vmul.f32 v30, v6  }
0xd3: {  	v36 =	vmul.f32 v12, v7;
	v33 =	vmul.f32 v33, v8  }
0xd4: {  	v34 =	vmul.f32 v34, v6;
	v35 =	vmul.f32 v35, v7  }
0xd5: {  	v37 =	vand.u32 $0x7FFFFFFF, v25;
	v38 =	vand.u32 $0x7FFFFFFF, v15;
	v12 =	vand.u32 $0x7FFFFFFF, v18  }
0xd6: {  	v40 =	vand.u32 $0x7FFFFFFF, v31;
	v41 =	vand.u32 $0x7FFFFFFF, v29;
	v39 =	vand.u32 $0x7FFFFFFF, v16  }
0xd7: {  	v44 =	vand.u32 $0x7FFFFFFF, v32;
	v42 =	vand.u32 $0x7FFFFFFF, v26;
	v43 =	vand.u32 $0x7FFFFFFF, v27  }
0xd8: {  	v47 =	vand.u32 $0x7FFFFFFF, v23;
	v45 =	vand.u32 $0x7FFFFFFF, v20;
	v46 =	vand.u32 $0x7FFFFFFF, v21  }
0xd9: {  	v50 =	vand.u32 $0x7FFFFFFF, v17;
	v48 =	vand.u32 $0x7FFFFFFF, v19;
	v49 =	vand.u32 $0x7FFFFFFF, v22  }
0xda: {  	v53 =	vand.u32 $0x7FFFFFFF, v24;
	v51 =	vand.u32 $0x7FFFFFFF, v14;
	v52 =	vand.u32 $0x7FFFFFFF, v28  }
0xdb: {  	v56 =	vand.u32 $0x7FFFFFFF, v13;
	v54 =	vand.u32 $0x7FFFFFFF, v30;
	v55 =	vand.u32 $0x7FFFFFFF, v36  }
0xdc: {  	v59 =	vand.u32 $0x7FFFFFFF, v33;
	v57 =	vand.u32 $0x7FFFFFFF, v34;
	v58 =	vand.u32 $0x7FFFFFFF, v35  }
0xdd: {  	v42 =	vmax.u32 v42, v43;
	v39 =	vmax.u32 v39, v40;
	v12 =	vmax.u32 v12, v37  }
0xde: {  	v43 =	vmax.u32 v45, v46;
	v40 =	vmax.u32 v48, v49;
	v37 =	vmax.u32 v51, v52  }
0xdf: {  	v12 =	vmax.u32 v12, v38;
	v46 =	vmax.u32 v54, v55;
	v45 =	vmax.u32 v57, v58  }
0xe0: {  	v42 =	vmax.u32 v42, v44;
	v39 =	vmax.u32 v39, v41;
	v38 =	vmax.u32 v43, v47  }
0xe1: {  	v40 =	vmax.u32 v40, v50;
	v37 =	vmax.u32 v37, v53;
	v41 =	vmax.u32 v46, v56  }
0xe2: {  	v39 =	vand.u32 $0x7F800000, v39;
	v12 =	vand.u32 $0x7F800000, v12;
	v43 =	vmax.u32 v45, v59  }
0xe3: {  	v42 =	vand.u32 $0x7F800000, v42;
	v40 =	vand.u32 $0x7F800000, v40;
	v38 =	vand.u32 $0x7F800000, v38  }
0xe4: {  	v37 =	vand.u32 $0x7F800000, v37;
	v41 =	vand.u32 $0x7F800000, v41;
	v43 =	vand.u32 $0x7F800000, v43  }
0xe5: {  	v42 =	vmax.u32 v42, $0xE000000;
	v39 =	vmax.u32 v39, $0xE000000;
	v44 =	vmax.u32 v12, $0xE000000  }
0xe6: {  	v12 =	vmax.u32 v40, $0xE000000;
	v38 =	vmax.u32 v38, $0xE000000;
	v40 =	vsub.s32 $0x8C800000, v44  }
0xe7: {  	v18 =	vmul.f32 v40, v18;
	v25 =	vmul.f32 v40, v25;
	v45 =	vsub.s32 $0x8C800000, v39  }
0xe8: {  	v37 =	vmax.u32 v37, $0xE000000;
	v15 =	vmul.f32 v40, v15;
	v16 =	vmul.f32 v45, v16  }
0xe9: {  	v40 =	vsub.s32 $0x8C800000, v42;
	v31 =	vmul.f32 v45, v31;
	v29 =	vmul.f32 v45, v29  }
0xea: {  	v26 =	vmul.f32 v40, v26;
	v27 =	vmul.f32 v40, v27;
	v45 =	vsub.s32 $0x8C800000, v38  }
0xeb: {  	v41 =	vmax.u32 v41, $0xE000000;
	v32 =	vmul.f32 v40, v32;
	v20 =	vmul.f32 v45, v20  }
0xec: {  	v40 =	vsub.s32 $0x8C800000, v12;
	v21 =	vmul.f32 v45, v21;
	v23 =	vmul.f32 v45, v23  }
0xed: {  	v19 =	vmul.f32 v40, v19;
	v22 =	vmul.f32 v40, v22;
	v45 =	vsub.s32 $0x8C800000, v37  }
0xee: {  	v17 =	vmul.f32 v40, v17;
	v43 =	vmax.u32 v43, $0xE000000;
	v14 =	vmul.f32 v45, v14  }
0xef: {  	v40 =	vsub.s32 $0x8C800000, v41;
	v28 =	vmul.f32 v45, v28;
	v24 =	vmul.f32 v45, v24  }
0xf0: {  	v30 =	vmul.f32 v40, v30;
	v36 =	vmul.f32 v40, v36;
	v45 =	vsub.s32 $0x8C800000, v43  }
0xf1: {  	v13 =	vmul.f32 v40, v13;
	v34 =	vmul.f32 v45, v34  }
0xf2: {  	v35 =	vmul.f32 v45, v35;
	v33 =	vmul.f32 v45, v33  }
0xf3: {  	v18 =	vtrunc.f32 v18;
	v25 =	vtrunc.f32 v25  }
0xf4: {  	v15 =	vtrunc.f32 v15;
	v16 =	vtrunc.f32 v16  }
0xf5: {  	v31 =	vtrunc.f32 v31;
	v29 =	vtrunc.f32 v29  }
0xf6: {  	v26 =	vtrunc.f32 v26;
	v27 =	vtrunc.f32 v27  }
0xf7: {  	v32 =	vtrunc.f32 v32;
	v20 =	vtrunc.f32 v20  }
0xf8: {  	v21 =	vtrunc.f32 v21;
	v23 =	vtrunc.f32 v23  }
0xf9: {  	v40 =	vtrunc.f32 v19;
	v22 =	vtrunc.f32 v22  }
0xfa: {  	v17 =	vtrunc.f32 v17;
	v45 =	vtrunc.f32 v14  }
0xfb: {  	s10 =	sadd.s32 $0x8, s10;
	v28 =	vtrunc.f32 v28;
	v24 =	vtrunc.f32 v24  }
0xfc: {  	p0 =	slt.u32 s10, $0x38;
	v30 =	vtrunc.f32 v30;
	v36 =	vtrunc.f32 v36  }
0xfd: {  	v46 =	vtrunc.f32 v13;
	v34 =	vtrunc.f32 v34  }
0xfe: {  	v35 =	vtrunc.f32 v35;
	v33 =	vtrunc.f32 v33  }
0xff: {  	v47 =	vcvt.f32.s32 v18;
	v25 =	vcvt.f32.s32 v25  }
0x100: {  	v49 =	vcvt.f32.s32 v15;
	v48 =	vcvt.f32.s32 v16  }
0x101: {  	v31 =	vcvt.f32.s32 v31;
	v29 =	vcvt.f32.s32 v29  }
0x102: {  	v50 =	vcvt.f32.s32 v26;
	v26 =	vcvt.f32.s32 v27  }
0x103: {  	s7 =	sadd.s32 $0x80, s7;
	v32 =	vcvt.f32.s32 v32;
	v51 =	vcvt.f32.s32 v20  }
0x104: {  	v19 =	vadd.s32 $0x73000000, v44;
	v52 =	vcvt.f32.s32 v21;
	v53 =	vcvt.f32.s32 v23;
	v13 =	vld [tilespmem:s7+$0x30]  }
0x105: {  	v40 =	vcvt.f32.s32 v40;
	v44 =	vcvt.f32.s32 v22;
	v21 =	vadd.s32 $0x73000000, v39;
	v14 =	vld [tilespmem:s7+$0x20]  }
0x106: {  	s16 =	sadd.s32 $0x80, s16;
	v23 =	vadd.s32 $0x73000000, v42;
	v39 =	vcvt.f32.s32 v45;
	v45 =	vcvt.f32.s32 v17;
	v15 =	vld [tilespmem:s7+$0x10]  }
0x107: {  	v28 =	vcvt.f32.s32 v28;
	v42 =	vcvt.f32.s32 v24;
	v24 =	vadd.s32 $0x73000000, v38;
	v16 =	vld [tilespmem:s16+$0x30]  }
0x108: {  	v27 =	vadd.s32 $0x73000000, v37;
	v30 =	vcvt.f32.s32 v30;
	v36 =	vcvt.f32.s32 v36;
	v17 =	vld [tilespmem:s7+$0x0]  }
0x109: {  	v41 =	vadd.s32 $0x73000000, v41;
	v37 =	vcvt.f32.s32 v46;
	v34 =	vcvt.f32.s32 v34;
	v18 =	vld [tilespmem:s16+$0x20]  }
0x10a: {  	v38 =	vadd.s32 $0x73000000, v43;
	v35 =	vcvt.f32.s32 v35;
	v33 =	vcvt.f32.s32 v33;
	v20 =	vld [tilespmem:s7+$0xFFFFFFF0]  }
0x10b: {  	v32 =	vadd.s32 v32, v26;
	v29 =	vadd.s32 v29, v31;
	v31 =	vadd.s32 v49, v25;
	v22 =	vld [tilespmem:s16+$0x10]  }
0x10c: {  	v42 =	vadd.s32 v42, v28;
	v43 =	vadd.s32 v45, v44;
	v44 =	vadd.s32 v53, v52;
	v25 =	vld [tilespmem:s7+$0xFFFFFFE0]  }
0x10d: {  	v31 =	vadd.s32 v47, v31;
	v28 =	vadd.s32 v33, v35;
	v33 =	vadd.s32 v37, v36;
	v26 =	vld [tilespmem:s16+$0x0]  }
0x10e: {  	v36 =	vadd.s32 v48, v29;
	v28 =	vadd.s32 v34, v28;
	v34 =	vadd.s32 v50, v32;
	v35 =	vld [tilespmem:s16+$0xFFFFFFC0]  }
.Ltmp3:
0x10f: {  	v44 =	vadd.s32 v51, v44;
	v29 =	vcvt.s32.f32 v31;
	v37 =	vcvt.s32.f32 v28;
	v28 =	vld [tilespmem:s7+$0xFFFFFFD0];
	(pc) =	sbr.rel @p0 .LBB2_8-.Ltmp3, $4  }
0x110: {  	v33 =	vadd.s32 v30, v33;
	v31 =	vcvt.s32.f32 v36;
	v30 =	vcvt.s32.f32 v34;
	v32 =	vld [tilespmem:s16+$0xFFFFFFD0]  }
0x111: {  	v45 =	vcvt.s32.f32 v33;
	v34 =	vadd.s32 v39, v42;
	v37 =	vmul.f32 v37, v38;
	v36 =	vld [tilespmem:s16+$0xFFFFFFE0]  }
0x112: {  	v42 =	vadd.s32 v40, v43;
	v38 =	vcvt.s32.f32 v34;
	v34 =	vcvt.s32.f32 v44;
	v33 =	vld [tilespmem:s7+$0xFFFFFFC0]  }
0x113: {  	s11 =	sadd.s32 $0x80, s11;
	v40 =	vmul.f32 v45, v41;
	v39 =	vadd.f32 v37, v35;
	v37 =	vcvt.s32.f32 v42;
	v35 =	vld [tilespmem:s16+$0xFFFFFFF0]  }
0x114: {  	v6 =	vmul.f32 v38, v27  }
0x115: {  	v7 =	vadd.f32 v39, v9;
	v8 =	vadd.f32 v40, v32  }
0x116: {  	v12 =	vadd.s32 $0x73000000, v12;
	v6 =	vadd.f32 v6, v36  }
0x117: {  	v12 =	vmul.f32 v37, v12;
	v7 =	vmin.f32 v33, v7;
	v8 =	vadd.f32 v8, v9  }
0x118: {  	v24 =	vmul.f32 v34, v24;
	vm1 =	vgt.f32 v7, v10;
	v6 =	vadd.f32 v6, v9  }
0x119: {  	v12 =	vadd.f32 v12, v35;
	v10 =	vsel vm1, v7, v10;
	v8 =	vmin.f32 v28, v8  }
0x11a: {  	v23 =	vmul.f32 v30, v23;
	v24 =	vadd.f32 v24, v26;
	vm2 =	vgt.f32 v8, v10  }
0x11b: {  	v12 =	vadd.f32 v12, v9;
	v6 =	vmin.f32 v25, v6;
	v10 =	vsel vm2, v8, v10  }
0x11c: {  	v21 =	vmul.f32 v31, v21;
	v22 =	vadd.f32 v23, v22;
	vm3 =	vgt.f32 v6, v10  }
0x11d: {  	v24 =	vadd.f32 v24, v9;
	v12 =	vmin.f32 v20, v12;
	v10 =	vsel vm3, v6, v10  }
0x11e: {  	v19 =	vmul.f32 v29, v19;
	v18 =	vadd.f32 v21, v18;
	vm4 =	vgt.f32 v12, v10  }
0x11f: {  	v59 =	vadd.f32 v22, v9;
	v17 =	vmin.f32 v17, v24;
	v10 =	vsel vm4, v12, v10  }
0x120: {  	v16 =	vadd.f32 v19, v16;
	vm5 =	vgt.f32 v17, v10  }
0x121: {  	v18 =	vadd.f32 v18, v9;
	v15 =	vmin.f32 v15, v59;
	v10 =	vsel vm5, v17, v10  }
0x122: {  	vm6 =	vgt.f32 v15, v10  }
0x123: {  	v60 =	vadd.f32 v16, v9;
	v14 =	vmin.f32 v14, v18;
	v10 =	vsel vm6, v15, v10  }
0x124: {  	vm7 =	vgt.f32 v14, v10  }
0x125: {  	v9 =	vmin.f32 v13, v60;
	v10 =	vsel vm7, v14, v10  }
0x126: {  	s0 =	sadd.s32 s8, s9;
	vm8 =	vgt.f32 v9, v10  }
0x127: {  	s8 =	sadd.s32 $0x8, s0;
	v10 =	vsel vm8, v9, v10  }
0x128: {  	s15 =	sadd.s32 $0x9, s0;
	v11 =	vsel vm1, s8, v11;
	(xrf0) =	vmax.scan.msk.f32 $0xffff, v10  }
0x129: {  	s16 =	sadd.s32 $0xA, s0;
	v11 =	vsel vm2, s15, v11  }
0x12a: {  	s18 =	sadd.s32 $0xB, s0;
	v11 =	vsel vm3, s16, v11  }
0x12b: {  	s19 =	sadd.s32 $0xC, s0;
	v11 =	vsel vm4, s18, v11  }
0x12c: {  	s10 =	sadd.s32 $0xD, s0;
	v11 =	vsel vm5, s19, v11  }
0x12d: {  	s11 =	sadd.s32 $0xE, s0;
	v11 =	vsel vm6, s10, v11  }
0x12e: {  	s0 =	sadd.s32 $0xF, s0;
	v11 =	vsel vm7, s11, v11;
	v61, _, _ =	vpop (xrf0)  }
0x12f: {  	v11 =	vsel vm8, s0, v11;
	v13 =	vbroadcast v61, $0xF  }
0x130: {  	v62 =	vor.u32 $0x80000000, v3;
	v11 =	vshll.u32 v11, $0x4  }
0x131: {  	v63 =	vxor.u32 v62, v11;
	vm1 =	veq.f32 v10, v13  }
0x132: {  	v10 =	vnsel vm1, $0x80001000, v63  }
0x133: {  	(xrf0) =	vmin.scan.msk.u32 $0xffff, v10;
	_ =	sdelay $0x5  }
0x134: {  	v10, _, _ =	vpop (xrf0)  }
0x135: {  	(v2sf) =	vpush v10, $0xF;
	_ =	sdelay $0x9  }
0x136: {  	[tilespmem:s7+$0xFFFFFFC0] =	vst v7  }
0x137: {  	[tilespmem:s7+$0xFFFFFFD0] =	vst v8  }
0x138: {  	[tilespmem:s7+$0xFFFFFFE0] =	vst v6  }
0x139: {  	[tilespmem:s7+$0x0] =	vst v17  }
0x13a: {  	[tilespmem:s7+$0x10] =	vst v15  }
0x13b: {  	[tilespmem:s7+$0x20] =	vst v14;
	s16 =	sshll.u32 s6, $0x7;
	s15 =	spop (v2sf)  }
0x13c: {  	[tilespmem:s7+$0x30] =	vst v9;
	s8 =	sand.u32 $0x80, s16;
	s0 =	sxor.u32 $0x80000000, s15  }
0x13d: {  	[tilespmem:s7+$0xFFFFFFF0] =	vst v12;
	s18 =	sadd.s32 s8, s2;
	v6 =	vnsel vm0, s0, v13  }
0x13e: {  	s19 =	sadd.s32 s22, s18;
	[tilespmem:$0x9600] =	vst v6  }
0x13f: {  	[spmem:s19] =	stream.linear.scatter [tilespmem:s30], [sflag:$0x2], $0x8, $0x38;
	[tilespmem:$0x11640] =	vst v63  }
0x140: {  	_ =	swait.ge [sflag:s20], $0x8  }
0x141: {  	[sflag:s20] =	ssyncset.done $0x0  }
0x142: {  	[sflag:s20] =	ssyncadd.s32 $0xFFFFFFF8  }
0x143: {  	s0 =	sadd.s32 s23, s18;
	[bflag:$0x0] =	sbarrier.arrive $0xFFFF  }
0x144: {  	[tilespmem:s31], [sflag:$0x2] =	stream.linear.gather [spmem:s0], $0x20, $0x38;
	[tilespmem:$0x11640] =	vst v63  }
0x145: {  	_ =	swait.ge [sflag:s20], $0x20  }
0x146: {  	[sflag:s20] =	ssyncset.done $0x0  }
0x147: {  	[sflag:s20] =	ssyncadd.s32 $0xFFFFFFE0  }
0x148: {  	v6 =	vld [tilespmem:$0x9610];
	_ =	sdelay $0x1  }
0x149: {  	v7 =	vld [tilespmem:$0x9620];
	_ =	sdelay $0x2  }
0x14a: {  	(v2sf) =	vpush v6, $0x0  }
0x14b: {  	(v2sf) =	vpush v6, $0x8  }
0x14c: {  	(v2sf) =	vpush v7, $0x0  }
0x14d: {  	(v2sf) =	vpush v7, $0x8  }
0x14e: {  	(v2sf) =	vpush v6, $0x1  }
0x14f: {  	(v2sf) =	vpush v6, $0x9;
	_ =	sdelay $0x5  }
0x150: {  	(v2sf) =	vpush v7, $0x1;
	_ =	sdelay $0x3  }
0x151: {  	s0 =	spop (v2sf)  }
0x152: {  	(v2sf) =	vpush v7, $0x9;
	s7 =	spop (v2sf)  }
0x153: {  	s10 =	spop (v2sf)  }
0x154: {  	s11 =	spop (v2sf)  }
0x155: {  	s8 =	spop (v2sf)  }
0x156: {  	p0 =	seq.f32 s7, s0;
	s15 =	spop (v2sf)  }
0x157: {  	p1 =	slt.s32 s15, s8  }
0x158: {  	p2 =	sgt.f32 s7, s0;
	p0 =	por !p1, !p0  }
0x159: {  	p0 =	por !p0, !p0  }
0x15a: {  	p0 =	por p2, p0  }
0x15b: {  	s0 =	smov.u32 @p0 s7  }
0x15c: {  	s16 =	spop (v2sf);
	s8 =	smov.u32 @p0 s15;
	p4 =	seq.f32 s10, s0  }
0x15d: {  	p5 =	slt.s32 s16, s8  }
0x15e: {  	p6 =	sgt.f32 s10, s0;
	p0 =	por !p4, !p5  }
0x15f: {  	p0 =	por !p0, !p0  }
0x160: {  	p0 =	por p6, p0  }
0x161: {  	s7 =	spop (v2sf);
	s0 =	smov.u32 @p0 s10;
	s8 =	smov.u32 @p0 s16  }
0x162: {  	p0 =	seq.f32 s11, s0;
	p1 =	slt.s32 s7, s8;
	s10 =	smov.u32 s8  }
0x163: {  	v6 =	vmov s6;
	s6 =	sadd.s32 $0x1, s6;
	s10 =	smov.u32 @p1 s7  }
0x164: {  	s8 =	smov.u32 @p0 s10;
	p0 =	sne.s32 s6, $0x10  }
.Ltmp4:
0x165: {  	_ = 	snop;
	(pc) =	sbr.rel @p0 .LBB2_7-.Ltmp4, $4  }
0x166: {  	_ = 	snop  }
0x167: {  	p2 =	sgt.f32 s11, s0  }
0x168: {  	vm1 =	veq.s32 v6, v3  }
0x169: {  	v4 =	vsel vm1, v5, v4;
	s8 =	smov.u32 @p2 s7  }
0x16a: {  	s0 =	sshll.u32 s5, $0x4;
	s5 =	sadd.s32 $0x1, s5  }
0x16b: {  	p0 =	sne.s32 s5, $0x80  }
.Ltmp5:
0x16c: {  	_ = 	snop;
	(pc) =	sbr.rel @p0 .LBB2_6-.Ltmp5, $3  }
0x16d: {  	_ =	sdelay $0x1  }
0x16e: {  	s0 =	sand.u32 $0x3FFFFFF0, s0  }
0x16f: {  	[tilespmem:s0+$0x8400] =	vst v4  }
0x170: {  	s5 =	simm.s32 $0x0;
	s6 =	simm.s32 $0x40  }
.LBB2_12:
0x171: {  	p0 =	sne.s32 s6, $0x7C0;
	v4 =	vld.idx.msk [tilespmem:v1+s5+$0x0 ss:$0x1], $0xffff;
	_ =	sdelay $0x5  }
0x172: {  	v5 =	vadd.s32 v0, v4;
	_ =	sdelay $0x1  }
0x173: {  	v6 =	vld.idx.msk [tilespmem:v4+s3+$0x0], $0xffff;
	_ =	sdelay $0x5  }
0x174: {  	[tilespmem:s5+$0x8E00] =	vst v6  }
0x175: {  	v6 =	vld.idx.msk [tilespmem:v4+s21+$0x0], $0xffff;
	_ =	sdelay $0x5  }
0x176: {  	[tilespmem:s5+$0x9000] =	vst v6  }
0x177: {  	v6 =	vld.idx.msk [tilespmem:v4+s24+$0x0], $0xffff;
	_ =	sdelay $0x5  }
0x178: {  	[tilespmem:s5+$0x9200] =	vst v6  }
0x179: {  	v4 =	vld.idx.msk [tilespmem:v4+s25+$0x0], $0xffff;
	[tilespmem:s5+$0x8C00] =	vst v5;
	_ =	sdelay $0x1  }
.Ltmp6:
0x17a: {  	(pc) =	sbr.rel @p0 .LBB2_12-.Ltmp6, $2  }
0x17b: {  	_ =	sdelay $0x2  }
0x17c: {  	[tilespmem:s5+$0x9400] =	vst v4;
	s5 =	sshra.s32 s6, $0x2;
	s6 =	sadd.s32 $0x40, s6  }
0x17d: {  	_ =	sdelay $0x3  }
0x17e: {  	v4 =	vld.idx.msk [tilespmem:v1+s5+$0x0 ss:$0x1], $0xffff;
	_ =	sdelay $0x7  }
0x17f: {  	v5 =	vld.idx.msk [tilespmem:v4+s3+$0x0], $0xffff;
	_ =	sdelay $0x4  }
0x180: {  	[tilespmem:s5+$0x8E00] =	vst v5  }
0x181: {  	v5 =	vld.idx.msk [tilespmem:v4+s21+$0x0], $0xffff;
	_ =	sdelay $0x4  }
0x182: {  	[tilespmem:s5+$0x9000] =	vst v5  }
0x183: {  	v5 =	vld.idx.msk [tilespmem:v4+s24+$0x0], $0xffff;
	_ =	sdelay $0x4  }
0x184: {  	[tilespmem:s5+$0x9200] =	vst v5  }
0x185: {  	v5 =	vld.idx.msk [tilespmem:v4+s25+$0x0], $0xffff;
	_ =	sdelay $0x2  }
0x186: {  	v4 =	vadd.s32 v0, v4  }
0x187: {  	[tilespmem:s5+$0x8C00] =	vst v4  }
0x188: {  	s0 =	rddreg [dreg:$0xd];
	s19 =	simm.s32 $0x8E00;
	[tilespmem:s5+$0x9400] =	vst v5  }
0x189: {  	[hbm4b:s0+s3] =	stream.linear.scatter [tilespmem:s19], [sflag:$0x2], $0x200, $0x38;
	[tilespmem:$0x11640] =	vst v63  }
0x18a: {  	_ =	swait.ge [sflag:s20], $0x200  }
0x18b: {  	[sflag:s20] =	ssyncset.done $0x0  }
0x18c: {  	s6 =	simm.s32 $0x9000;
	s5 =	rddreg [dreg:$0xe];
	[sflag:s20] =	ssyncadd.s32 $0xFFFFFE00  }
0x18d: {  	[hbm4b:s5+s3] =	stream.linear.scatter [tilespmem:s6], [sflag:$0x2], $0x200, $0x38;
	[tilespmem:$0x11640] =	vst v63  }
0x18e: {  	_ =	swait.ge [sflag:s20], $0x200  }
0x18f: {  	[sflag:s20] =	ssyncset.done $0x0  }
0x190: {  	s8 =	simm.s32 $0x9200;
	s7 =	rddreg [dreg:$0xf];
	[sflag:s20] =	ssyncadd.s32 $0xFFFFFE00  }
0x191: {  	[hbm4b:s7+s3] =	stream.linear.scatter [tilespmem:s8], [sflag:$0x2], $0x200, $0x38;
	[tilespmem:$0x11640] =	vst v63  }
0x192: {  	_ =	swait.ge [sflag:s20], $0x200  }
0x193: {  	[sflag:s20] =	ssyncset.done $0x0  }
0x194: {  	s11 =	simm.s32 $0x9400;
	s10 =	rddreg [dreg:$0x10];
	[sflag:s20] =	ssyncadd.s32 $0xFFFFFE00  }
0x195: {  	[hbm4b:s10+s3] =	stream.linear.scatter [tilespmem:s11], [sflag:$0x2], $0x200, $0x38;
	[tilespmem:$0x11640] =	vst v63  }
0x196: {  	_ =	swait.ge [sflag:s20], $0x200  }
0x197: {  	s16 =	simm.s32 $0x200;
	s6 =	simm.s32 $0x8C00;
	[sflag:s20] =	ssyncset.done $0x0  }
0x198: {  	s7 =	simm.s32 $0x9630;
	s15 =	rddreg [dreg:$0x8];
	[sflag:s20] =	ssyncadd.s32 $0xFFFFFE00  }
0x199: {  	[tilespmem:s7], [sflag:$0x1] =	stream.indirect.gather [hbm4b:s15+s16], $0x40, s6, s16, $0xb8;
	[tilespmem:$0x11640] =	vst v63  }
0x19a: {  	_ =	swait.ge [sflag:s1], $0x8000  }
0x19b: {  	[sflag:s1] =	ssyncset.done $0x0  }
0x19c: {  	s18 =	rddreg [dreg:$0x11];
	[sflag:s1] =	ssyncadd.s32 $0xFFFF8000  }
0x19d: {  	[hbm4b:s18+s3] =	stream.linear.scatter [tilespmem:s7], [sflag:$0x2], $0x8000, $0x38;
	[tilespmem:$0x11640] =	vst v63  }
0x19e: {  	_ =	swait.ge [sflag:s20], $0x8000  }
0x19f: {  	s4 =	sadd.s32 $0x1, s4;
	s19 =	rddreg [dreg:$0x12]  }
0x1a0: {  	p0 =	sne.s32 s4, s19  }
.Ltmp7:
0x1a1: {  	_ = 	snop;
	(pc) =	sbr.rel @p0 .LBB2_1-.Ltmp7, $3  }
0x1a2: {  	_ =	sdelay $0x1  }
0x1a3: {  	[sflag:s20] =	ssyncset.done $0x0  }
0x1a4: {  	[sflag:s20] =	ssyncadd.s32 $0xFFFF8000  }
0x1a5: {  	_ =	sfence.sel $0x180000  }
0x1a6: {  	[bflag:$0x0] =	sbarrier.arrive $0xFFFF  }
0x1a7: {  	_ =	strace $0x90000047  }
0x1a8: {  	s0 =	stileid.u32;
	[bflag:$0x2] =	sbarrier.arrive $0xFFFF  }
0x1a9: {  	p0 =	sne.s32 s0, $0x0;
	s0 =	rddreg [dreg:$0x7]  }
0x1aa: {  	s0 =	sadd.s32 @!p0 $0x100000, s0  }
0x1ab: {  	[sflag:s0] =	ssyncadd.tile.s32 @!p0 $0x1;
	_ =	shalt  }
.Lfunc_end2:
_tile_overlayer_lowered:
.L_overlay_start_2:
0x1ac: {  	(tag) =	ssettag $0x2  }
0x1ad: {  	s0 =	rddreg [dreg:$0x0];
	s2 =	stileid.u32  }
0x1ae: {  	s1 =	rddreg [dreg:$0x1];
	p0 =	sne.s32 s2, $0x0  }
0x1af: {  	s3 =	rddreg [dreg:$0x2];
	[bflag:$0x3] =	sbarrier.arrive $0xFFFF;
	s2 =	simm.s32 @!p0 $0x1C02  }
0x1b0: {  	[timem:s3], [sflag:s2] =	dma.local @!p0 [hbm:s0], s1  }
0x1b1: {  	s0 =	simm.s32 @!p0 $0x2  }
0x1b2: {  	_ =	swait.ge @!p0 [sflag:s0], s1  }
0x1b3: {  	s1 =	ssub.s32 @!p0 $0x0, s1;
	[sflag:s0] =	ssyncset.done @!p0 $0x0  }
0x1b4: {  	[sflag:s0] =	ssyncadd.s32 @!p0 s1  }
0x1b5: {  	[bflag:$0x3] =	sbarrier.arrive $0xFFFF  }
0x1b6: {  	_ =	shalt  }

</sc_bundles>
